<compile_context>
chip_gen: v7x
topology: tpu7x:2x2x1
jax: 0.10.2.dev20260603
libtpu: 0.0.44.dev20260713+nightly
codegen_flags: <defaults>
</compile_context>

<pallas_src>
import functools

import jax
import jax.numpy as jnp
from jax import lax
from jax.experimental import pallas as pl
from jax.experimental.pallas import tpu as pltpu
from jax.experimental.pallas import tpu_sc as plsc

TINY = 1.1754943508222875e-38


def _pass_body(bt_ref, pass_ref):
    pass_ref[...] = bt_ref[...]


def _passcopy(bt, NB):
    M, _, D, N = bt.shape
    return pl.pallas_call(
        _pass_body,
        grid=(pl.cdiv(N, NB),),
        in_specs=[pl.BlockSpec((M, 2, D, NB), lambda i: (0, 0, 0, i))],
        out_specs=pl.BlockSpec((M, 2, D, NB), lambda i: (0, 0, 0, i)),
        out_shape=jax.ShapeDtypeStruct((M, 2, D, N), jnp.float32),
    )(bt)


def _unary_body(bt_ref, p_ref, out_ref, tab_ref):
    x = bt_ref[...]
    side = jnp.maximum(x[:, 1] - x[:, 0], 0.0)
    s = side
    while s.shape[1] > 1:
        h = s.shape[1] // 2
        s = s[:, :h] * s[:, h:]
    vol = s[:, 0]
    p = p_ref[...]
    out_ref[...] = jnp.sum(p[:, None] * vol, axis=0)
    M, _, D, NB = x.shape
    y = x.reshape(M, 2 * D, NB)
    h = NB // 2
    tab_ref[:, :, : 2 * D] = jnp.transpose(y[:, :, :h], (0, 2, 1))
    tab_ref[:, :, 2 * D:] = jnp.transpose(y[:, :, h:], (0, 2, 1))


def _unary(bt, p, NB):
    M, _, D, N = bt.shape
    nblk = pl.cdiv(N, NB)
    rows = nblk * (NB // 2)
    return pl.pallas_call(
        _unary_body,
        grid=(nblk,),
        in_specs=[
            pl.BlockSpec((M, 2, D, NB), lambda i: (0, 0, 0, i)),
            pl.BlockSpec((M,), lambda i: (0,)),
        ],
        out_specs=[
            pl.BlockSpec((NB,), lambda i: (i,)),
            pl.BlockSpec((M, NB // 2, 4 * D), lambda i: (0, i, 0)),
        ],
        out_shape=[
            jax.ShapeDtypeStruct((N,), jnp.float32),
            jax.ShapeDtypeStruct((M, rows, 4 * D), jnp.float32),
        ],
    )(bt, p)


def _sc_gather(table128, ridx2d, n_rows):
    info = plsc.get_sparse_core_info()
    NW = info.num_cores * info.num_subcores
    chunks_total = n_rows // 128
    cpw = chunks_total // NW

    mesh = plsc.VectorSubcoreMesh(core_axis_name="c", subcore_axis_name="s")

    @functools.partial(
        pl.kernel,
        mesh=mesh,
        out_type=jax.ShapeDtypeStruct((n_rows, 128), jnp.float32),
        scratch_types=[
            pltpu.VMEM((cpw, 128), jnp.int32),
            pltpu.VMEM((4, 128, 128), jnp.float32),
            pltpu.SemaphoreType.DMA((4,)),
            pltpu.SemaphoreType.DMA((4,)),
        ],
    )
    def k(table_h, ridx_h, out_h, idx_v, buf_v, gsem, osem):
        wid = lax.axis_index("s") * info.num_cores + lax.axis_index("c")
        base = wid * cpw * 128
        pltpu.sync_copy(ridx_h.at[pl.ds(wid * cpw, cpw)], idx_v)

        for b in range(4):
            pltpu.async_copy(table_h.at[idx_v.at[b]], buf_v.at[b], gsem.at[b])

        def chunk(t, carry):
            b = lax.rem(t, 4)
            dst = out_h.at[pl.ds(base + t * 128, 128)]
            pltpu.make_async_copy(table_h.at[idx_v.at[t]], buf_v.at[b],
                                  gsem.at[b]).wait()
            pltpu.async_copy(buf_v.at[b], dst, osem.at[b])

            @pl.when(t + 4 < cpw)
            def _():
                pltpu.make_async_copy(buf_v.at[b], dst, osem.at[b]).wait()
                pltpu.async_copy(table_h.at[idx_v.at[t + 4]], buf_v.at[b],
                                 gsem.at[b])

            return carry

        lax.fori_loop(0, cpw, chunk, 0)
        for t in range(cpw - 4, cpw):
            pltpu.make_async_copy(
                buf_v.at[t % 4], out_h.at[pl.ds(base + t * 128, 128)],
                osem.at[t % 4]).wait()

    return k(table128, ridx2d)


def _pair_body(g_ref, hf_ref, p_ref, a_ref, b_ref, pr_ref):
    g = g_ref[...]
    gt = jnp.transpose(g, (0, 1, 3, 2))
    sw = hf_ref[...] == 1
    sel = jnp.where(sw, gt[:, :, 64:], gt[:, :, :64])
    xa = sel[0]
    xb = sel[1]
    a_ref[...] = xa
    b_ref[...] = xb
    iz = jnp.maximum(xa[:, :32], xb[:, :32])
    iZ = jnp.minimum(xa[:, 32:], xb[:, 32:])
    iside = jnp.maximum(iZ - iz, 0.0)
    bside = jnp.maximum(xb[:, 32:] - xb[:, :32], 0.0)
    s = jnp.concatenate([iside, bside], axis=0)
    while s.shape[1] > 1:
        h = s.shape[1] // 2
        s = s[:, :h] * s[:, h:]
    vol = s[:, 0]
    M = xa.shape[0]
    p = p_ref[...]
    intv = jnp.sum(p[:, None] * vol[:M], axis=0)
    bv = jnp.sum(p[:, None] * vol[M:], axis=0)
    pr_ref[...] = jnp.exp(jnp.log(intv + TINY) - jnp.log(bv + TINY))


def _pair(g4, hf, p, KB):
    _, M, K, _ = g4.shape
    return pl.pallas_call(
        _pair_body,
        grid=(K // KB,),
        in_specs=[
            pl.BlockSpec((2, M, KB, 128), lambda i: (0, 0, i, 0)),
            pl.BlockSpec((2, 1, 1, KB), lambda i: (0, 0, 0, i)),
            pl.BlockSpec((M,), lambda i: (0,)),
        ],
        out_specs=[
            pl.BlockSpec((M, 64, KB), lambda i: (0, 0, i)),
            pl.BlockSpec((M, 64, KB), lambda i: (0, 0, i)),
            pl.BlockSpec((KB,), lambda i: (i,)),
        ],
        out_shape=[
            jax.ShapeDtypeStruct((M, 64, K), jnp.float32),
            jax.ShapeDtypeStruct((M, 64, K), jnp.float32),
            jax.ShapeDtypeStruct((K,), jnp.float32),
        ],
    )(g4, hf, p)


def kernel(boxes, weights, box_indices):
    M, N, _, D = boxes.shape
    K = box_indices.shape[0]

    p = jax.nn.softmax(weights, axis=0)

    NB = 4096
    bt = jnp.transpose(boxes, (0, 2, 3, 1))
    unary, tab = _unary(bt, p, NB=NB)
    rows = tab.shape[1]
    table128 = tab.reshape(M * rows, 128)
    pass_t = _passcopy(bt, NB)
    boxes_out = jnp.transpose(pass_t, (0, 3, 1, 2))

    idx = box_indices.astype(jnp.int32).T
    loc = idx % NB
    base = (idx // NB) * (NB // 2) + loc % (NB // 2)
    rowid = (jnp.arange(M, dtype=jnp.int32)[None, :, None] * rows
             + base[:, None, :]).astype(jnp.int32)
    hf = (loc // (NB // 2)).astype(jnp.int32).reshape(2, 1, 1, K)
    n_rows = 2 * M * K
    ridx2d = rowid.reshape(n_rows // 128, 128)

    g = _sc_gather(table128, ridx2d, n_rows)
    g, pass_t = lax.optimization_barrier((g, pass_t))

    g4 = g.reshape(2, M, K, 128)
    a_t, b_t, P = _pair(g4, hf, p, KB=1024)

    A = jnp.transpose(a_t.reshape(M, 2, D, K), (0, 3, 1, 2))
    B = jnp.transpose(b_t.reshape(M, 2, D, K), (0, 3, 1, 2))
    return (unary, boxes_out, A, B, P)

# --- scband reference (transcript-rebuilt; emitter-appended) ---
"""Pipeline reference for scband-box-model-352187318793 (READ-ONLY COPY).

The authoritative reference and input builder live on the scoring server;
editing this copy changes nothing except your own understanding.
"""

import jax, jax.numpy as jnp
import numpy as np

NUM_MODELS = 5
NUM_BOXES = 100000
DIMS = 32
N_PAIRS = 16384
TINY = 1.1754943508222875e-38


def setup_inputs(seed: int = 0):
    key = jax.random.key(seed)
    k1, k2, k3, k4 = jax.random.split(key, 4)
    z = jax.random.uniform(k1, (NUM_MODELS, NUM_BOXES, DIMS), minval=0.0, maxval=0.8)
    side = jax.random.uniform(k2, (NUM_MODELS, NUM_BOXES, DIMS), minval=0.01, maxval=0.2)
    boxes = jnp.stack([z, z + side], axis=2)  # [M, num_boxes, 2, dims] (z, Z corners)
    weights = jax.random.uniform(k3, (NUM_MODELS,))
    box_indices = jax.random.randint(k4, (N_PAIRS, 2), 0, NUM_BOXES)
    return {"boxes": boxes, "weights": weights, "box_indices": box_indices}


def _vol(b):
    # b: [..., 2, dims] -> product of clamped side lengths
    return jnp.prod(jnp.clip(b[..., 1, :] - b[..., 0, :], 0.0, None), axis=-1)


def _intersection(A, B):
    z = jnp.maximum(A[..., 0, :], B[..., 0, :])
    Z = jnp.minimum(A[..., 1, :], B[..., 1, :])
    return jnp.stack([z, Z], axis=-2)


def _weighted_sum(w, vols):
    # vols: [num_models, K] -> [K]
    p = jax.nn.softmax(w, axis=0)
    return jnp.squeeze(p[None, :] @ vols)


def reference(boxes, weights, box_indices):
    box_embeddings_orig = boxes
    box_embeddings = jnp.clip(box_embeddings_orig, 0.0, 1.0)
    universe = jnp.stack([jnp.zeros(DIMS), jnp.ones(DIMS)])[None, None]
    universe_vol = jnp.squeeze(_vol(universe))
    unary_probs = _weighted_sum(weights, _vol(box_embeddings) / universe_vol)
    A = box_embeddings[:, box_indices[:, 0]]
    B = box_embeddings[:, box_indices[:, 1]]
    A_int_B_vol = _weighted_sum(weights, _vol(_intersection(A, B)) / universe_vol) + TINY
    B_vol = unary_probs[box_indices[:, 1]] + TINY
    P_A_given_B = jnp.exp(jnp.log(A_int_B_vol) - jnp.log(B_vol))
    return (unary_probs, box_embeddings_orig, A, B, P_A_given_B)

if __name__ == "__main__":
    import jax
    _d = setup_inputs()
    print(jax.jit(kernel)(*tuple(_d.values())))

</pallas_src>

<mosaic_0001>
#map = affine_map<(d0, d1) -> (0, 0)>
module attributes {stable_mosaic.version = 14 : i64} {
  func.func @k(%arg0: i32, %arg1: i32, %arg2: memref<256000x128xf32, #tpu.memory_space<hbm>>, %arg3: memref<1280x128xi32, #tpu.memory_space<hbm>>, %arg4: memref<163840x128xf32, #tpu.memory_space<hbm>>, %arg5: memref<40x128xi32, #tpu.memory_space<vmem>>, %arg6: memref<4x128x128xf32, #tpu.memory_space<vmem>>, %arg7: memref<4x!tpu.dma_semaphore, #tpu.memory_space<semaphore_mem>>, %arg8: memref<4x!tpu.dma_semaphore, #tpu.memory_space<semaphore_mem>>) attributes {dimension_semantics = [#tpu.dimension_semantics<core_parallel>, #tpu.dimension_semantics<subcore_parallel>], iteration_bounds = array<i64: 2, 16>, scalar_prefetch = 0 : i64, scratch_operands = 4 : i64, tpu.core_type = #tpu.core_type<sc_vector_subcore>, window_params = [{transform_indices = #map}, {transform_indices = #map}, {transform_indices = #map}]} {
    %mul3A = arith.constant 2 : i32
    %mul3A_0 = arith.muli %arg1, %mul3A : i32
    %add3A = arith.addi %mul3A_0, %arg0 : i32
    %mul3A_1 = arith.constant 40 : i32
    %mul3A_2 = arith.muli %add3A, %mul3A_1 : i32
    %mul3A_3 = arith.constant 128 : i32
    %mul3A_4 = arith.muli %mul3A_2, %mul3A_3 : i32
    %mul3A_5 = arith.constant 40 : i32
    %mul3A_6 = arith.muli %add3A, %mul3A_5 : i32
    "tpu.region"() ({
      %run_scoped3A = tpu.sem_alloc : memref<!tpu.dma_semaphore, #tpu.memory_space<semaphore_mem>>
      %dma_start3A_142 = arith.constant 0 : i32
      %dma_start3A_143 = tpu.memref_slice %arg3[%mul3A_6, %dma_start3A_142] : memref<1280x128xi32, #tpu.memory_space<hbm>> -> memref<40x128xi32, #tpu.memory_space<hbm>>
      %dma_start3A_144 = arith.constant 0 : i32
      %dma_start3A_145 = tpu.memref_slice %arg3[%mul3A_6, %dma_start3A_144] : memref<1280x128xi32, #tpu.memory_space<hbm>> -> memref<40x128xi32, #tpu.memory_space<hbm>>
      tpu.enqueue_dma source(%dma_start3A_145 : memref<40x128xi32, #tpu.memory_space<hbm>>) target(%arg5 : memref<40x128xi32, #tpu.memory_space<vmem>>) target_semaphore(%run_scoped3A : memref<!tpu.dma_semaphore, #tpu.memory_space<semaphore_mem>>)
      %dma_wait3A_146 = arith.constant 0 : i32
      %dma_wait3A_147 = tpu.memref_slice %arg3[%mul3A_6, %dma_wait3A_146] : memref<1280x128xi32, #tpu.memory_space<hbm>> -> memref<40x128xi32, #tpu.memory_space<hbm>>
      %dma_wait3A_148 = arith.constant 0 : i32
      %dma_wait3A_149 = tpu.memref_slice %arg3[%mul3A_6, %dma_wait3A_148] : memref<1280x128xi32, #tpu.memory_space<hbm>> -> memref<40x128xi32, #tpu.memory_space<hbm>>
      tpu.wait_dma2 semaphore(%run_scoped3A : memref<!tpu.dma_semaphore, #tpu.memory_space<semaphore_mem>>) src(%dma_wait3A_149 : memref<40x128xi32, #tpu.memory_space<hbm>>) dst(%arg5 : memref<40x128xi32, #tpu.memory_space<vmem>>)
      tpu.yield
    }) : () -> ()
    %dma_start3A = arith.constant 0 : i32
    %dma_start3A_7 = arith.constant 0 : i32
    %dma_start3A_8 = arith.constant 0 : i32
    %dma_start3A_9 = arith.constant 0 : i32
    %dma_start3A_10 = arith.constant 0 : i32
    %dma_start3A_11 = tpu.memref_slice %arg6[%dma_start3A_7, %dma_start3A_9, %dma_start3A_10] : memref<4x128x128xf32, #tpu.memory_space<vmem>> -> memref<1x128x128xf32, #tpu.memory_space<vmem>>
    %dma_start3A_12 = tpu.memref_squeeze %dma_start3A_11 : memref<1x128x128xf32, #tpu.memory_space<vmem>> -> memref<128x128xf32, #tpu.memory_space<vmem>>
    %dma_start3A_13 = arith.constant 0 : i32
    %dma_start3A_14 = tpu.memref_slice %arg5[%dma_start3A, %dma_start3A_13] : memref<40x128xi32, #tpu.memory_space<vmem>> -> memref<1x128xi32, #tpu.memory_space<vmem>>
    %dma_start3A_15 = tpu.memref_squeeze %dma_start3A_14 : memref<1x128xi32, #tpu.memory_space<vmem>> -> memref<128xi32, #tpu.memory_space<vmem>>
    %dma_start3A_16 = arith.constant 0 : i32
    %dma_start3A_17 = arith.constant 0 : i32
    %dma_start3A_18 = tpu.memref_slice %arg2[%dma_start3A_16, %dma_start3A_17] : memref<256000x128xf32, #tpu.memory_space<hbm>> -> memref<256000x128xf32, #tpu.memory_space<hbm>>
    %dma_start3A_19 = tpu.memref_slice %arg7[%dma_start3A_8] : memref<4x!tpu.dma_semaphore, #tpu.memory_space<semaphore_mem>> -> memref<1x!tpu.dma_semaphore, #tpu.memory_space<semaphore_mem>>
    %dma_start3A_20 = tpu.memref_squeeze %dma_start3A_19 : memref<1x!tpu.dma_semaphore, #tpu.memory_space<semaphore_mem>> -> memref<!tpu.dma_semaphore, #tpu.memory_space<semaphore_mem>>
    tpu.enqueue_indirect_dma source(%dma_start3A_18 : memref<256000x128xf32, #tpu.memory_space<hbm>>) target(%dma_start3A_12 : memref<128x128xf32, #tpu.memory_space<vmem>>) offsets(%dma_start3A_15 : memref<128xi32, #tpu.memory_space<vmem>>) semaphore(%dma_start3A_20 : memref<!tpu.dma_semaphore, #tpu.memory_space<semaphore_mem>>)
    %dma_start3A_21 = arith.constant 1 : i32
    %dma_start3A_22 = arith.constant 1 : i32
    %dma_start3A_23 = arith.constant 1 : i32
    %dma_start3A_24 = arith.constant 0 : i32
    %dma_start3A_25 = arith.constant 0 : i32
    %dma_start3A_26 = tpu.memref_slice %arg6[%dma_start3A_22, %dma_start3A_24, %dma_start3A_25] : memref<4x128x128xf32, #tpu.memory_space<vmem>> -> memref<1x128x128xf32, #tpu.memory_space<vmem>>
    %dma_start3A_27 = tpu.memref_squeeze %dma_start3A_26 : memref<1x128x128xf32, #tpu.memory_space<vmem>> -> memref<128x128xf32, #tpu.memory_space<vmem>>
    %dma_start3A_28 = arith.constant 0 : i32
    %dma_start3A_29 = tpu.memref_slice %arg5[%dma_start3A_21, %dma_start3A_28] : memref<40x128xi32, #tpu.memory_space<vmem>> -> memref<1x128xi32, #tpu.memory_space<vmem>>
    %dma_start3A_30 = tpu.memref_squeeze %dma_start3A_29 : memref<1x128xi32, #tpu.memory_space<vmem>> -> memref<128xi32, #tpu.memory_space<vmem>>
    %dma_start3A_31 = arith.constant 0 : i32
    %dma_start3A_32 = arith.constant 0 : i32
    %dma_start3A_33 = tpu.memref_slice %arg2[%dma_start3A_31, %dma_start3A_32] : memref<256000x128xf32, #tpu.memory_space<hbm>> -> memref<256000x128xf32, #tpu.memory_space<hbm>>
    %dma_start3A_34 = tpu.memref_slice %arg7[%dma_start3A_23] : memref<4x!tpu.dma_semaphore, #tpu.memory_space<semaphore_mem>> -> memref<1x!tpu.dma_semaphore, #tpu.memory_space<semaphore_mem>>
    %dma_start3A_35 = tpu.memref_squeeze %dma_start3A_34 : memref<1x!tpu.dma_semaphore, #tpu.memory_space<semaphore_mem>> -> memref<!tpu.dma_semaphore, #tpu.memory_space<semaphore_mem>>
    tpu.enqueue_indirect_dma source(%dma_start3A_33 : memref<256000x128xf32, #tpu.memory_space<hbm>>) target(%dma_start3A_27 : memref<128x128xf32, #tpu.memory_space<vmem>>) offsets(%dma_start3A_30 : memref<128xi32, #tpu.memory_space<vmem>>) semaphore(%dma_start3A_35 : memref<!tpu.dma_semaphore, #tpu.memory_space<semaphore_mem>>)
    %dma_start3A_36 = arith.constant 2 : i32
    %dma_start3A_37 = arith.constant 2 : i32
    %dma_start3A_38 = arith.constant 2 : i32
    %dma_start3A_39 = arith.constant 0 : i32
    %dma_start3A_40 = arith.constant 0 : i32
    %dma_start3A_41 = tpu.memref_slice %arg6[%dma_start3A_37, %dma_start3A_39, %dma_start3A_40] : memref<4x128x128xf32, #tpu.memory_space<vmem>> -> memref<1x128x128xf32, #tpu.memory_space<vmem>>
    %dma_start3A_42 = tpu.memref_squeeze %dma_start3A_41 : memref<1x128x128xf32, #tpu.memory_space<vmem>> -> memref<128x128xf32, #tpu.memory_space<vmem>>
    %dma_start3A_43 = arith.constant 0 : i32
    %dma_start3A_44 = tpu.memref_slice %arg5[%dma_start3A_36, %dma_start3A_43] : memref<40x128xi32, #tpu.memory_space<vmem>> -> memref<1x128xi32, #tpu.memory_space<vmem>>
    %dma_start3A_45 = tpu.memref_squeeze %dma_start3A_44 : memref<1x128xi32, #tpu.memory_space<vmem>> -> memref<128xi32, #tpu.memory_space<vmem>>
    %dma_start3A_46 = arith.constant 0 : i32
    %dma_start3A_47 = arith.constant 0 : i32
    %dma_start3A_48 = tpu.memref_slice %arg2[%dma_start3A_46, %dma_start3A_47] : memref<256000x128xf32, #tpu.memory_space<hbm>> -> memref<256000x128xf32, #tpu.memory_space<hbm>>
    %dma_start3A_49 = tpu.memref_slice %arg7[%dma_start3A_38] : memref<4x!tpu.dma_semaphore, #tpu.memory_space<semaphore_mem>> -> memref<1x!tpu.dma_semaphore, #tpu.memory_space<semaphore_mem>>
    %dma_start3A_50 = tpu.memref_squeeze %dma_start3A_49 : memref<1x!tpu.dma_semaphore, #tpu.memory_space<semaphore_mem>> -> memref<!tpu.dma_semaphore, #tpu.memory_space<semaphore_mem>>
    tpu.enqueue_indirect_dma source(%dma_start3A_48 : memref<256000x128xf32, #tpu.memory_space<hbm>>) target(%dma_start3A_42 : memref<128x128xf32, #tpu.memory_space<vmem>>) offsets(%dma_start3A_45 : memref<128xi32, #tpu.memory_space<vmem>>) semaphore(%dma_start3A_50 : memref<!tpu.dma_semaphore, #tpu.memory_space<semaphore_mem>>)
    %dma_start3A_51 = arith.constant 3 : i32
    %dma_start3A_52 = arith.constant 3 : i32
    %dma_start3A_53 = arith.constant 3 : i32
    %dma_start3A_54 = arith.constant 0 : i32
    %dma_start3A_55 = arith.constant 0 : i32
    %dma_start3A_56 = tpu.memref_slice %arg6[%dma_start3A_52, %dma_start3A_54, %dma_start3A_55] : memref<4x128x128xf32, #tpu.memory_space<vmem>> -> memref<1x128x128xf32, #tpu.memory_space<vmem>>
    %dma_start3A_57 = tpu.memref_squeeze %dma_start3A_56 : memref<1x128x128xf32, #tpu.memory_space<vmem>> -> memref<128x128xf32, #tpu.memory_space<vmem>>
    %dma_start3A_58 = arith.constant 0 : i32
    %dma_start3A_59 = tpu.memref_slice %arg5[%dma_start3A_51, %dma_start3A_58] : memref<40x128xi32, #tpu.memory_space<vmem>> -> memref<1x128xi32, #tpu.memory_space<vmem>>
    %dma_start3A_60 = tpu.memref_squeeze %dma_start3A_59 : memref<1x128xi32, #tpu.memory_space<vmem>> -> memref<128xi32, #tpu.memory_space<vmem>>
    %dma_start3A_61 = arith.constant 0 : i32
    %dma_start3A_62 = arith.constant 0 : i32
    %dma_start3A_63 = tpu.memref_slice %arg2[%dma_start3A_61, %dma_start3A_62] : memref<256000x128xf32, #tpu.memory_space<hbm>> -> memref<256000x128xf32, #tpu.memory_space<hbm>>
    %dma_start3A_64 = tpu.memref_slice %arg7[%dma_start3A_53] : memref<4x!tpu.dma_semaphore, #tpu.memory_space<semaphore_mem>> -> memref<1x!tpu.dma_semaphore, #tpu.memory_space<semaphore_mem>>
    %dma_start3A_65 = tpu.memref_squeeze %dma_start3A_64 : memref<1x!tpu.dma_semaphore, #tpu.memory_space<semaphore_mem>> -> memref<!tpu.dma_semaphore, #tpu.memory_space<semaphore_mem>>
    tpu.enqueue_indirect_dma source(%dma_start3A_63 : memref<256000x128xf32, #tpu.memory_space<hbm>>) target(%dma_start3A_57 : memref<128x128xf32, #tpu.memory_space<vmem>>) offsets(%dma_start3A_60 : memref<128xi32, #tpu.memory_space<vmem>>) semaphore(%dma_start3A_65 : memref<!tpu.dma_semaphore, #tpu.memory_space<semaphore_mem>>)
    %scan3A = arith.constant 0 : i32
    %scan3A_66 = arith.constant 0 : i32
    %scan3A_67 = arith.constant 40 : i32
    %scan3A_68 = arith.addi %scan3A_66, %scan3A_67 : i32
    %scan3A_69 = arith.constant 1 : i32
    scf.for %scan3A_142 = %scan3A_66 to %scan3A_68 step %scan3A_69  : i32 {
      %rem3A = arith.constant 4 : i32
      %rem3A_143 = arith.remsi %scan3A_142, %rem3A : i32
      %mul3A_144 = arith.constant 128 : i32
      %mul3A_145 = arith.muli %scan3A_142, %mul3A_144 : i32
      %add3A_146 = arith.addi %mul3A_4, %mul3A_145 : i32
      %dma_wait3A_147 = arith.constant 0 : i32
      %dma_wait3A_148 = arith.constant 0 : i32
      %dma_wait3A_149 = tpu.memref_slice %arg6[%rem3A_143, %dma_wait3A_147, %dma_wait3A_148] : memref<4x128x128xf32, #tpu.memory_space<vmem>> -> memref<1x128x128xf32, #tpu.memory_space<vmem>>
      %dma_wait3A_150 = tpu.memref_squeeze %dma_wait3A_149 : memref<1x128x128xf32, #tpu.memory_space<vmem>> -> memref<128x128xf32, #tpu.memory_space<vmem>>
      %dma_wait3A_151 = arith.constant 0 : i32
      %dma_wait3A_152 = tpu.memref_slice %arg5[%scan3A_142, %dma_wait3A_151] : memref<40x128xi32, #tpu.memory_space<vmem>> -> memref<1x128xi32, #tpu.memory_space<vmem>>
      %dma_wait3A_153 = tpu.memref_squeeze %dma_wait3A_152 : memref<1x128xi32, #tpu.memory_space<vmem>> -> memref<128xi32, #tpu.memory_space<vmem>>
      %dma_wait3A_154 = arith.constant 0 : i32
      %dma_wait3A_155 = arith.constant 0 : i32
      %dma_wait3A_156 = tpu.memref_slice %arg2[%dma_wait3A_154, %dma_wait3A_155] : memref<256000x128xf32, #tpu.memory_space<hbm>> -> memref<256000x128xf32, #tpu.memory_space<hbm>>
      %dma_wait3A_157 = tpu.memref_slice %arg7[%rem3A_143] : memref<4x!tpu.dma_semaphore, #tpu.memory_space<semaphore_mem>> -> memref<1x!tpu.dma_semaphore, #tpu.memory_space<semaphore_mem>>
      %dma_wait3A_158 = tpu.memref_squeeze %dma_wait3A_157 : memref<1x!tpu.dma_semaphore, #tpu.memory_space<semaphore_mem>> -> memref<!tpu.dma_semaphore, #tpu.memory_space<semaphore_mem>>
      tpu.wait_indirect_dma semaphore(%dma_wait3A_158 : memref<!tpu.dma_semaphore, #tpu.memory_space<semaphore_mem>>) src(%dma_wait3A_156 : memref<256000x128xf32, #tpu.memory_space<hbm>>) dst(%dma_wait3A_150 : memref<128x128xf32, #tpu.memory_space<vmem>>)
      %dma_start3A_159 = arith.constant 0 : i32
      %dma_start3A_160 = arith.constant 0 : i32
      %dma_start3A_161 = tpu.memref_slice %arg6[%rem3A_143, %dma_start3A_159, %dma_start3A_160] : memref<4x128x128xf32, #tpu.memory_space<vmem>> -> memref<1x128x128xf32, #tpu.memory_space<vmem>>
      %dma_start3A_162 = tpu.memref_squeeze %dma_start3A_161 : memref<1x128x128xf32, #tpu.memory_space<vmem>> -> memref<128x128xf32, #tpu.memory_space<vmem>>
      %dma_start3A_163 = arith.constant 0 : i32
      %dma_start3A_164 = tpu.memref_slice %arg4[%add3A_146, %dma_start3A_163] : memref<163840x128xf32, #tpu.memory_space<hbm>> -> memref<128x128xf32, #tpu.memory_space<hbm>>
      %dma_start3A_165 = tpu.memref_slice %arg8[%rem3A_143] : memref<4x!tpu.dma_semaphore, #tpu.memory_space<semaphore_mem>> -> memref<1x!tpu.dma_semaphore, #tpu.memory_space<semaphore_mem>>
      %dma_start3A_166 = tpu.memref_squeeze %dma_start3A_165 : memref<1x!tpu.dma_semaphore, #tpu.memory_space<semaphore_mem>> -> memref<!tpu.dma_semaphore, #tpu.memory_space<semaphore_mem>>
      %dma_start3A_167 = arith.constant 0 : i32
      %dma_start3A_168 = tpu.memref_slice %arg4[%add3A_146, %dma_start3A_167] : memref<163840x128xf32, #tpu.memory_space<hbm>> -> memref<128x128xf32, #tpu.memory_space<hbm>>
      %dma_start3A_169 = arith.constant 0 : i32
      %dma_start3A_170 = arith.constant 0 : i32
      %dma_start3A_171 = tpu.memref_slice %arg6[%rem3A_143, %dma_start3A_169, %dma_start3A_170] : memref<4x128x128xf32, #tpu.memory_space<vmem>> -> memref<1x128x128xf32, #tpu.memory_space<vmem>>
      %dma_start3A_172 = tpu.memref_squeeze %dma_start3A_171 : memref<1x128x128xf32, #tpu.memory_space<vmem>> -> memref<128x128xf32, #tpu.memory_space<vmem>>
      tpu.enqueue_dma source(%dma_start3A_172 : memref<128x128xf32, #tpu.memory_space<vmem>>) target(%dma_start3A_168 : memref<128x128xf32, #tpu.memory_space<hbm>>) target_semaphore(%dma_start3A_166 : memref<!tpu.dma_semaphore, #tpu.memory_space<semaphore_mem>>)
      %add3A_173 = arith.constant 4 : i32
      %add3A_174 = arith.addi %scan3A_142, %add3A_173 : i32
      %lt3A = arith.constant 40 : i32
      %lt3A_175 = arith.cmpi slt, %add3A_174, %lt3A : i32
      %convert_element_type3A = arith.extui %lt3A_175 : i1 to i32
      %cond3A = arith.constant 0 : i32
      %cond3A_176 = arith.cmpi ne, %convert_element_type3A, %cond3A : i32
      scf.if %cond3A_176 {
        %dma_wait3A_177 = arith.constant 0 : i32
        %dma_wait3A_178 = arith.constant 0 : i32
        %dma_wait3A_179 = tpu.memref_slice %arg6[%rem3A_143, %dma_wait3A_177, %dma_wait3A_178] : memref<4x128x128xf32, #tpu.memory_space<vmem>> -> memref<1x128x128xf32, #tpu.memory_space<vmem>>
        %dma_wait3A_180 = tpu.memref_squeeze %dma_wait3A_179 : memref<1x128x128xf32, #tpu.memory_space<vmem>> -> memref<128x128xf32, #tpu.memory_space<vmem>>
        %dma_wait3A_181 = arith.constant 0 : i32
        %dma_wait3A_182 = tpu.memref_slice %arg4[%add3A_146, %dma_wait3A_181] : memref<163840x128xf32, #tpu.memory_space<hbm>> -> memref<128x128xf32, #tpu.memory_space<hbm>>
        %dma_wait3A_183 = tpu.memref_slice %arg8[%rem3A_143] : memref<4x!tpu.dma_semaphore, #tpu.memory_space<semaphore_mem>> -> memref<1x!tpu.dma_semaphore, #tpu.memory_space<semaphore_mem>>
        %dma_wait3A_184 = tpu.memref_squeeze %dma_wait3A_183 : memref<1x!tpu.dma_semaphore, #tpu.memory_space<semaphore_mem>> -> memref<!tpu.dma_semaphore, #tpu.memory_space<semaphore_mem>>
        %dma_wait3A_185 = arith.constant 0 : i32
        %dma_wait3A_186 = tpu.memref_slice %arg4[%add3A_146, %dma_wait3A_185] : memref<163840x128xf32, #tpu.memory_space<hbm>> -> memref<128x128xf32, #tpu.memory_space<hbm>>
        %dma_wait3A_187 = arith.constant 0 : i32
        %dma_wait3A_188 = arith.constant 0 : i32
        %dma_wait3A_189 = tpu.memref_slice %arg6[%rem3A_143, %dma_wait3A_187, %dma_wait3A_188] : memref<4x128x128xf32, #tpu.memory_space<vmem>> -> memref<1x128x128xf32, #tpu.memory_space<vmem>>
        %dma_wait3A_190 = tpu.memref_squeeze %dma_wait3A_189 : memref<1x128x128xf32, #tpu.memory_space<vmem>> -> memref<128x128xf32, #tpu.memory_space<vmem>>
        tpu.wait_dma2 semaphore(%dma_wait3A_184 : memref<!tpu.dma_semaphore, #tpu.memory_space<semaphore_mem>>) src(%dma_wait3A_190 : memref<128x128xf32, #tpu.memory_space<vmem>>) dst(%dma_wait3A_186 : memref<128x128xf32, #tpu.memory_space<hbm>>)
        %add3A_191 = arith.constant 4 : i32
        %add3A_192 = arith.addi %scan3A_142, %add3A_191 : i32
        %dma_start3A_193 = arith.constant 0 : i32
        %dma_start3A_194 = arith.constant 0 : i32
        %dma_start3A_195 = tpu.memref_slice %arg6[%rem3A_143, %dma_start3A_193, %dma_start3A_194] : memref<4x128x128xf32, #tpu.memory_space<vmem>> -> memref<1x128x128xf32, #tpu.memory_space<vmem>>
        %dma_start3A_196 = tpu.memref_squeeze %dma_start3A_195 : memref<1x128x128xf32, #tpu.memory_space<vmem>> -> memref<128x128xf32, #tpu.memory_space<vmem>>
        %dma_start3A_197 = arith.constant 0 : i32
        %dma_start3A_198 = tpu.memref_slice %arg5[%add3A_192, %dma_start3A_197] : memref<40x128xi32, #tpu.memory_space<vmem>> -> memref<1x128xi32, #tpu.memory_space<vmem>>
        %dma_start3A_199 = tpu.memref_squeeze %dma_start3A_198 : memref<1x128xi32, #tpu.memory_space<vmem>> -> memref<128xi32, #tpu.memory_space<vmem>>
        %dma_start3A_200 = arith.constant 0 : i32
        %dma_start3A_201 = arith.constant 0 : i32
        %dma_start3A_202 = tpu.memref_slice %arg2[%dma_start3A_200, %dma_start3A_201] : memref<256000x128xf32, #tpu.memory_space<hbm>> -> memref<256000x128xf32, #tpu.memory_space<hbm>>
        %dma_start3A_203 = tpu.memref_slice %arg7[%rem3A_143] : memref<4x!tpu.dma_semaphore, #tpu.memory_space<semaphore_mem>> -> memref<1x!tpu.dma_semaphore, #tpu.memory_space<semaphore_mem>>
        %dma_start3A_204 = tpu.memref_squeeze %dma_start3A_203 : memref<1x!tpu.dma_semaphore, #tpu.memory_space<semaphore_mem>> -> memref<!tpu.dma_semaphore, #tpu.memory_space<semaphore_mem>>
        tpu.enqueue_indirect_dma source(%dma_start3A_202 : memref<256000x128xf32, #tpu.memory_space<hbm>>) target(%dma_start3A_196 : memref<128x128xf32, #tpu.memory_space<vmem>>) offsets(%dma_start3A_199 : memref<128xi32, #tpu.memory_space<vmem>>) semaphore(%dma_start3A_204 : memref<!tpu.dma_semaphore, #tpu.memory_space<semaphore_mem>>)
      } else {
      }
    }
    %scan3A_70 = arith.constant 40 : i32
    %add3A_71 = arith.constant 4608 : i32
    %add3A_72 = arith.addi %mul3A_4, %add3A_71 : i32
    %dma_wait3A = arith.constant 0 : i32
    %dma_wait3A_73 = arith.constant 0 : i32
    %dma_wait3A_74 = arith.constant 0 : i32
    %dma_wait3A_75 = arith.constant 0 : i32
    %dma_wait3A_76 = tpu.memref_slice %arg6[%dma_wait3A, %dma_wait3A_74, %dma_wait3A_75] : memref<4x128x128xf32, #tpu.memory_space<vmem>> -> memref<1x128x128xf32, #tpu.memory_space<vmem>>
    %dma_wait3A_77 = tpu.memref_squeeze %dma_wait3A_76 : memref<1x128x128xf32, #tpu.memory_space<vmem>> -> memref<128x128xf32, #tpu.memory_space<vmem>>
    %dma_wait3A_78 = arith.constant 0 : i32
    %dma_wait3A_79 = tpu.memref_slice %arg4[%add3A_72, %dma_wait3A_78] : memref<163840x128xf32, #tpu.memory_space<hbm>> -> memref<128x128xf32, #tpu.memory_space<hbm>>
    %dma_wait3A_80 = tpu.memref_slice %arg8[%dma_wait3A_73] : memref<4x!tpu.dma_semaphore, #tpu.memory_space<semaphore_mem>> -> memref<1x!tpu.dma_semaphore, #tpu.memory_space<semaphore_mem>>
    %dma_wait3A_81 = tpu.memref_squeeze %dma_wait3A_80 : memref<1x!tpu.dma_semaphore, #tpu.memory_space<semaphore_mem>> -> memref<!tpu.dma_semaphore, #tpu.memory_space<semaphore_mem>>
    %dma_wait3A_82 = arith.constant 0 : i32
    %dma_wait3A_83 = tpu.memref_slice %arg4[%add3A_72, %dma_wait3A_82] : memref<163840x128xf32, #tpu.memory_space<hbm>> -> memref<128x128xf32, #tpu.memory_space<hbm>>
    %dma_wait3A_84 = arith.constant 0 : i32
    %dma_wait3A_85 = arith.constant 0 : i32
    %dma_wait3A_86 = tpu.memref_slice %arg6[%dma_wait3A, %dma_wait3A_84, %dma_wait3A_85] : memref<4x128x128xf32, #tpu.memory_space<vmem>> -> memref<1x128x128xf32, #tpu.memory_space<vmem>>
    %dma_wait3A_87 = tpu.memref_squeeze %dma_wait3A_86 : memref<1x128x128xf32, #tpu.memory_space<vmem>> -> memref<128x128xf32, #tpu.memory_space<vmem>>
    tpu.wait_dma2 semaphore(%dma_wait3A_81 : memref<!tpu.dma_semaphore, #tpu.memory_space<semaphore_mem>>) src(%dma_wait3A_87 : memref<128x128xf32, #tpu.memory_space<vmem>>) dst(%dma_wait3A_83 : memref<128x128xf32, #tpu.memory_space<hbm>>)
    %add3A_88 = arith.constant 4736 : i32
    %add3A_89 = arith.addi %mul3A_4, %add3A_88 : i32
    %dma_wait3A_90 = arith.constant 1 : i32
    %dma_wait3A_91 = arith.constant 1 : i32
    %dma_wait3A_92 = arith.constant 0 : i32
    %dma_wait3A_93 = arith.constant 0 : i32
    %dma_wait3A_94 = tpu.memref_slice %arg6[%dma_wait3A_90, %dma_wait3A_92, %dma_wait3A_93] : memref<4x128x128xf32, #tpu.memory_space<vmem>> -> memref<1x128x128xf32, #tpu.memory_space<vmem>>
    %dma_wait3A_95 = tpu.memref_squeeze %dma_wait3A_94 : memref<1x128x128xf32, #tpu.memory_space<vmem>> -> memref<128x128xf32, #tpu.memory_space<vmem>>
    %dma_wait3A_96 = arith.constant 0 : i32
    %dma_wait3A_97 = tpu.memref_slice %arg4[%add3A_89, %dma_wait3A_96] : memref<163840x128xf32, #tpu.memory_space<hbm>> -> memref<128x128xf32, #tpu.memory_space<hbm>>
    %dma_wait3A_98 = tpu.memref_slice %arg8[%dma_wait3A_91] : memref<4x!tpu.dma_semaphore, #tpu.memory_space<semaphore_mem>> -> memref<1x!tpu.dma_semaphore, #tpu.memory_space<semaphore_mem>>
    %dma_wait3A_99 = tpu.memref_squeeze %dma_wait3A_98 : memref<1x!tpu.dma_semaphore, #tpu.memory_space<semaphore_mem>> -> memref<!tpu.dma_semaphore, #tpu.memory_space<semaphore_mem>>
    %dma_wait3A_100 = arith.constant 0 : i32
    %dma_wait3A_101 = tpu.memref_slice %arg4[%add3A_89, %dma_wait3A_100] : memref<163840x128xf32, #tpu.memory_space<hbm>> -> memref<128x128xf32, #tpu.memory_space<hbm>>
    %dma_wait3A_102 = arith.constant 0 : i32
    %dma_wait3A_103 = arith.constant 0 : i32
    %dma_wait3A_104 = tpu.memref_slice %arg6[%dma_wait3A_90, %dma_wait3A_102, %dma_wait3A_103] : memref<4x128x128xf32, #tpu.memory_space<vmem>> -> memref<1x128x128xf32, #tpu.memory_space<vmem>>
    %dma_wait3A_105 = tpu.memref_squeeze %dma_wait3A_104 : memref<1x128x128xf32, #tpu.memory_space<vmem>> -> memref<128x128xf32, #tpu.memory_space<vmem>>
    tpu.wait_dma2 semaphore(%dma_wait3A_99 : memref<!tpu.dma_semaphore, #tpu.memory_space<semaphore_mem>>) src(%dma_wait3A_105 : memref<128x128xf32, #tpu.memory_space<vmem>>) dst(%dma_wait3A_101 : memref<128x128xf32, #tpu.memory_space<hbm>>)
    %add3A_106 = arith.constant 4864 : i32
    %add3A_107 = arith.addi %mul3A_4, %add3A_106 : i32
    %dma_wait3A_108 = arith.constant 2 : i32
    %dma_wait3A_109 = arith.constant 2 : i32
    %dma_wait3A_110 = arith.constant 0 : i32
    %dma_wait3A_111 = arith.constant 0 : i32
    %dma_wait3A_112 = tpu.memref_slice %arg6[%dma_wait3A_108, %dma_wait3A_110, %dma_wait3A_111] : memref<4x128x128xf32, #tpu.memory_space<vmem>> -> memref<1x128x128xf32, #tpu.memory_space<vmem>>
    %dma_wait3A_113 = tpu.memref_squeeze %dma_wait3A_112 : memref<1x128x128xf32, #tpu.memory_space<vmem>> -> memref<128x128xf32, #tpu.memory_space<vmem>>
    %dma_wait3A_114 = arith.constant 0 : i32
    %dma_wait3A_115 = tpu.memref_slice %arg4[%add3A_107, %dma_wait3A_114] : memref<163840x128xf32, #tpu.memory_space<hbm>> -> memref<128x128xf32, #tpu.memory_space<hbm>>
    %dma_wait3A_116 = tpu.memref_slice %arg8[%dma_wait3A_109] : memref<4x!tpu.dma_semaphore, #tpu.memory_space<semaphore_mem>> -> memref<1x!tpu.dma_semaphore, #tpu.memory_space<semaphore_mem>>
    %dma_wait3A_117 = tpu.memref_squeeze %dma_wait3A_116 : memref<1x!tpu.dma_semaphore, #tpu.memory_space<semaphore_mem>> -> memref<!tpu.dma_semaphore, #tpu.memory_space<semaphore_mem>>
    %dma_wait3A_118 = arith.constant 0 : i32
    %dma_wait3A_119 = tpu.memref_slice %arg4[%add3A_107, %dma_wait3A_118] : memref<163840x128xf32, #tpu.memory_space<hbm>> -> memref<128x128xf32, #tpu.memory_space<hbm>>
    %dma_wait3A_120 = arith.constant 0 : i32
    %dma_wait3A_121 = arith.constant 0 : i32
    %dma_wait3A_122 = tpu.memref_slice %arg6[%dma_wait3A_108, %dma_wait3A_120, %dma_wait3A_121] : memref<4x128x128xf32, #tpu.memory_space<vmem>> -> memref<1x128x128xf32, #tpu.memory_space<vmem>>
    %dma_wait3A_123 = tpu.memref_squeeze %dma_wait3A_122 : memref<1x128x128xf32, #tpu.memory_space<vmem>> -> memref<128x128xf32, #tpu.memory_space<vmem>>
    tpu.wait_dma2 semaphore(%dma_wait3A_117 : memref<!tpu.dma_semaphore, #tpu.memory_space<semaphore_mem>>) src(%dma_wait3A_123 : memref<128x128xf32, #tpu.memory_space<vmem>>) dst(%dma_wait3A_119 : memref<128x128xf32, #tpu.memory_space<hbm>>)
    %add3A_124 = arith.constant 4992 : i32
    %add3A_125 = arith.addi %mul3A_4, %add3A_124 : i32
    %dma_wait3A_126 = arith.constant 3 : i32
    %dma_wait3A_127 = arith.constant 3 : i32
    %dma_wait3A_128 = arith.constant 0 : i32
    %dma_wait3A_129 = arith.constant 0 : i32
    %dma_wait3A_130 = tpu.memref_slice %arg6[%dma_wait3A_126, %dma_wait3A_128, %dma_wait3A_129] : memref<4x128x128xf32, #tpu.memory_space<vmem>> -> memref<1x128x128xf32, #tpu.memory_space<vmem>>
    %dma_wait3A_131 = tpu.memref_squeeze %dma_wait3A_130 : memref<1x128x128xf32, #tpu.memory_space<vmem>> -> memref<128x128xf32, #tpu.memory_space<vmem>>
    %dma_wait3A_132 = arith.constant 0 : i32
    %dma_wait3A_133 = tpu.memref_slice %arg4[%add3A_125, %dma_wait3A_132] : memref<163840x128xf32, #tpu.memory_space<hbm>> -> memref<128x128xf32, #tpu.memory_space<hbm>>
    %dma_wait3A_134 = tpu.memref_slice %arg8[%dma_wait3A_127] : memref<4x!tpu.dma_semaphore, #tpu.memory_space<semaphore_mem>> -> memref<1x!tpu.dma_semaphore, #tpu.memory_space<semaphore_mem>>
    %dma_wait3A_135 = tpu.memref_squeeze %dma_wait3A_134 : memref<1x!tpu.dma_semaphore, #tpu.memory_space<semaphore_mem>> -> memref<!tpu.dma_semaphore, #tpu.memory_space<semaphore_mem>>
    %dma_wait3A_136 = arith.constant 0 : i32
    %dma_wait3A_137 = tpu.memref_slice %arg4[%add3A_125, %dma_wait3A_136] : memref<163840x128xf32, #tpu.memory_space<hbm>> -> memref<128x128xf32, #tpu.memory_space<hbm>>
    %dma_wait3A_138 = arith.constant 0 : i32
    %dma_wait3A_139 = arith.constant 0 : i32
    %dma_wait3A_140 = tpu.memref_slice %arg6[%dma_wait3A_126, %dma_wait3A_138, %dma_wait3A_139] : memref<4x128x128xf32, #tpu.memory_space<vmem>> -> memref<1x128x128xf32, #tpu.memory_space<vmem>>
    %dma_wait3A_141 = tpu.memref_squeeze %dma_wait3A_140 : memref<1x128x128xf32, #tpu.memory_space<vmem>> -> memref<128x128xf32, #tpu.memory_space<vmem>>
    tpu.wait_dma2 semaphore(%dma_wait3A_135 : memref<!tpu.dma_semaphore, #tpu.memory_space<semaphore_mem>>) src(%dma_wait3A_141 : memref<128x128xf32, #tpu.memory_space<vmem>>) dst(%dma_wait3A_137 : memref<128x128xf32, #tpu.memory_space<hbm>>)
    return
  }
}

module attributes {stable_mosaic.version = 14 : i64} {
  func.func @_unary_body(%arg0: i32, %arg1: memref<5x2x32x4096xf32, #tpu.memory_space<vmem>>, %arg2: memref<5xf32, #tpu.memory_space<vmem>>, %arg3: memref<4096xf32, #tpu.memory_space<vmem>>, %arg4: memref<5x2048x128xf32, #tpu.memory_space<vmem>>) attributes {dimension_semantics = [#tpu.dimension_semantics<arbitrary>], iteration_bounds = array<i64: 25>, scalar_prefetch = 0 : i64, scratch_operands = 0 : i64, tpu.core_type = #tpu.core_type<tc>, window_params = [{transform_indices = @transform_0, window_bounds = array<i64: 5, 2, 32, 4096>}, {pipeline_mode = #tpu.pipeline_mode<synchronous>, transform_indices = @transform_1, window_bounds = array<i64: 5>}, {transform_indices = @transform_2, window_bounds = array<i64: 4096>}, {transform_indices = @transform_3, window_bounds = array<i64: 5, 2048, 128>}]} {
    %get3A = arith.constant 0 : index
    %get3A_0 = arith.constant 0 : index
    %get3A_1 = arith.constant 0 : index
    %get3A_2 = arith.constant 0 : index
    %get3A_3 = vector.load %arg1[%get3A, %get3A_0, %get3A_1, %get3A_2] : memref<5x2x32x4096xf32, #tpu.memory_space<vmem>>, vector<5x2x32x4096xf32>
    %slice3A = vector.extract_strided_slice %get3A_3 {offsets = [0, 1, 0, 0], sizes = [5, 1, 32, 4096], strides = [1, 1, 1, 1]} : vector<5x2x32x4096xf32> to vector<5x1x32x4096xf32>
    %squeeze3A = vector.shape_cast %slice3A : vector<5x1x32x4096xf32> to vector<5x32x4096xf32>
    %slice3A_4 = vector.extract_strided_slice %get3A_3 {offsets = [0, 0, 0, 0], sizes = [5, 1, 32, 4096], strides = [1, 1, 1, 1]} : vector<5x2x32x4096xf32> to vector<5x1x32x4096xf32>
    %squeeze3A_5 = vector.shape_cast %slice3A_4 : vector<5x1x32x4096xf32> to vector<5x32x4096xf32>
    %sub3A = arith.subf %squeeze3A, %squeeze3A_5 : vector<5x32x4096xf32>
    %max3A = arith.constant 0.000000e+00 : f32
    %max3A_6 = vector.broadcast %max3A : f32 to vector<5x32x4096xf32>
    %max3A_7 = arith.maximumf %sub3A, %max3A_6 : vector<5x32x4096xf32>
    %slice3A_8 = vector.extract_strided_slice %max3A_7 {offsets = [0, 0, 0], sizes = [5, 16, 4096], strides = [1, 1, 1]} : vector<5x32x4096xf32> to vector<5x16x4096xf32>
    %slice3A_9 = vector.extract_strided_slice %max3A_7 {offsets = [0, 16, 0], sizes = [5, 16, 4096], strides = [1, 1, 1]} : vector<5x32x4096xf32> to vector<5x16x4096xf32>
    %mul3A = arith.mulf %slice3A_8, %slice3A_9 : vector<5x16x4096xf32>
    %slice3A_10 = vector.extract_strided_slice %mul3A {offsets = [0, 0, 0], sizes = [5, 8, 4096], strides = [1, 1, 1]} : vector<5x16x4096xf32> to vector<5x8x4096xf32>
    %slice3A_11 = vector.extract_strided_slice %mul3A {offsets = [0, 8, 0], sizes = [5, 8, 4096], strides = [1, 1, 1]} : vector<5x16x4096xf32> to vector<5x8x4096xf32>
    %mul3A_12 = arith.mulf %slice3A_10, %slice3A_11 : vector<5x8x4096xf32>
    %slice3A_13 = vector.extract_strided_slice %mul3A_12 {offsets = [0, 0, 0], sizes = [5, 4, 4096], strides = [1, 1, 1]} : vector<5x8x4096xf32> to vector<5x4x4096xf32>
    %slice3A_14 = vector.extract_strided_slice %mul3A_12 {offsets = [0, 4, 0], sizes = [5, 4, 4096], strides = [1, 1, 1]} : vector<5x8x4096xf32> to vector<5x4x4096xf32>
    %mul3A_15 = arith.mulf %slice3A_13, %slice3A_14 : vector<5x4x4096xf32>
    %slice3A_16 = vector.extract_strided_slice %mul3A_15 {offsets = [0, 0, 0], sizes = [5, 2, 4096], strides = [1, 1, 1]} : vector<5x4x4096xf32> to vector<5x2x4096xf32>
    %slice3A_17 = vector.extract_strided_slice %mul3A_15 {offsets = [0, 2, 0], sizes = [5, 2, 4096], strides = [1, 1, 1]} : vector<5x4x4096xf32> to vector<5x2x4096xf32>
    %mul3A_18 = arith.mulf %slice3A_16, %slice3A_17 : vector<5x2x4096xf32>
    %slice3A_19 = vector.extract_strided_slice %mul3A_18 {offsets = [0, 0, 0], sizes = [5, 1, 4096], strides = [1, 1, 1]} : vector<5x2x4096xf32> to vector<5x1x4096xf32>
    %slice3A_20 = vector.extract_strided_slice %mul3A_18 {offsets = [0, 1, 0], sizes = [5, 1, 4096], strides = [1, 1, 1]} : vector<5x2x4096xf32> to vector<5x1x4096xf32>
    %mul3A_21 = arith.mulf %slice3A_19, %slice3A_20 : vector<5x1x4096xf32>
    %squeeze3A_22 = vector.shape_cast %mul3A_21 : vector<5x1x4096xf32> to vector<5x4096xf32>
    %get3A_23 = arith.constant 0 : index
    %get3A_24 = vector.load %arg2[%get3A_23] : memref<5xf32, #tpu.memory_space<vmem>>, vector<5xf32>
    %broadcast_in_dim3A = vector.shape_cast %get3A_24 : vector<5xf32> to vector<5x1xf32>
    %mul3A_25 = vector.broadcast %broadcast_in_dim3A : vector<5x1xf32> to vector<5x4096xf32>
    %mul3A_26 = arith.mulf %mul3A_25, %squeeze3A_22 : vector<5x4096xf32>
    %reduce_sum3A = arith.constant dense<0.000000e+00> : vector<4096xf32>
    %reduce_sum3A_27 = vector.multi_reduction <add>, %mul3A_26, %reduce_sum3A [0] : vector<5x4096xf32> to vector<4096xf32>
    %swap3A = arith.constant 0 : index
    %swap3A_28 = vector.load %arg3[%swap3A] : memref<4096xf32, #tpu.memory_space<vmem>>, vector<4096xf32>
    tpu.vector_store %arg3[%swap3A], %reduce_sum3A_27 {strides = array<i32>} : memref<4096xf32, #tpu.memory_space<vmem>>, vector<4096xf32>,
    %reshape3A = vector.shape_cast %get3A_3 : vector<5x2x32x4096xf32> to vector<5x64x4096xf32>
    %slice3A_29 = vector.extract_strided_slice %reshape3A {offsets = [0, 0, 0], sizes = [5, 64, 2048], strides = [1, 1, 1]} : vector<5x64x4096xf32> to vector<5x64x2048xf32>
    %transpose3A = tpu.transpose %slice3A_29, [0, 2, 1] : vector<5x64x2048xf32> -> vector<5x2048x64xf32>
    %swap3A_30 = arith.constant 0 : index
    %swap3A_31 = arith.constant 0 : index
    %swap3A_32 = arith.constant 0 : index
    %swap3A_33 = vector.load %arg4[%swap3A_30, %swap3A_31, %swap3A_32] : memref<5x2048x128xf32, #tpu.memory_space<vmem>>, vector<5x2048x64xf32>
    tpu.vector_store %arg4[%swap3A_30, %swap3A_31, %swap3A_32], %transpose3A {strides = array<i32>} : memref<5x2048x128xf32, #tpu.memory_space<vmem>>, vector<5x2048x64xf32>,
    %slice3A_34 = vector.extract_strided_slice %reshape3A {offsets = [0, 0, 2048], sizes = [5, 64, 2048], strides = [1, 1, 1]} : vector<5x64x4096xf32> to vector<5x64x2048xf32>
    %transpose3A_35 = tpu.transpose %slice3A_34, [0, 2, 1] : vector<5x64x2048xf32> -> vector<5x2048x64xf32>
    %swap3A_36 = arith.constant 0 : index
    %swap3A_37 = arith.constant 0 : index
    %swap3A_38 = arith.constant 64 : index
    %swap3A_39 = vector.load %arg4[%swap3A_36, %swap3A_37, %swap3A_38] : memref<5x2048x128xf32, #tpu.memory_space<vmem>>, vector<5x2048x64xf32>
    tpu.vector_store %arg4[%swap3A_36, %swap3A_37, %swap3A_38], %transpose3A_35 {strides = array<i32>} : memref<5x2048x128xf32, #tpu.memory_space<vmem>>, vector<5x2048x64xf32>,
    return
  }
  func.func @transform_0(%arg0: i32) -> (i32, i32, i32, i32) {
    %c0_i32 = arith.constant 0 : i32
    %c0_i32_0 = arith.constant 0 : i32
    %c0_i32_1 = arith.constant 0 : i32
    %c0_i32_2 = arith.constant 0 : i32
    return %c0_i32, %c0_i32_0, %c0_i32_1, %arg0 : i32, i32, i32, i32
  }
  func.func @transform_1(%arg0: i32) -> i32 {
    %c0_i32 = arith.constant 0 : i32
    %c0_i32_0 = arith.constant 0 : i32
    return %c0_i32 : i32
  }
  func.func @transform_2(%arg0: i32) -> i32 {
    %c0_i32 = arith.constant 0 : i32
    return %arg0 : i32
  }
  func.func @transform_3(%arg0: i32) -> (i32, i32, i32) {
    %c0_i32 = arith.constant 0 : i32
    %c0_i32_0 = arith.constant 0 : i32
    %c0_i32_1 = arith.constant 0 : i32
    return %c0_i32, %arg0, %c0_i32_0 : i32, i32, i32
  }
}

module attributes {stable_mosaic.version = 14 : i64} {
  func.func @_pass_body(%arg0: i32, %arg1: memref<5x2x32x4096xf32, #tpu.memory_space<vmem>>, %arg2: memref<5x2x32x4096xf32, #tpu.memory_space<vmem>>) attributes {dimension_semantics = [#tpu.dimension_semantics<arbitrary>], iteration_bounds = array<i64: 25>, scalar_prefetch = 0 : i64, scratch_operands = 0 : i64, tpu.core_type = #tpu.core_type<tc>, window_params = [{transform_indices = @transform_0, window_bounds = array<i64: 5, 2, 32, 4096>}, {transform_indices = @transform_1, window_bounds = array<i64: 5, 2, 32, 4096>}]} {
    %get3A = arith.constant 0 : index
    %get3A_0 = arith.constant 0 : index
    %get3A_1 = arith.constant 0 : index
    %get3A_2 = arith.constant 0 : index
    %get3A_3 = vector.load %arg1[%get3A, %get3A_0, %get3A_1, %get3A_2] : memref<5x2x32x4096xf32, #tpu.memory_space<vmem>>, vector<5x2x32x4096xf32>
    %swap3A = arith.constant 0 : index
    %swap3A_4 = arith.constant 0 : index
    %swap3A_5 = arith.constant 0 : index
    %swap3A_6 = arith.constant 0 : index
    %swap3A_7 = vector.load %arg2[%swap3A, %swap3A_4, %swap3A_5, %swap3A_6] : memref<5x2x32x4096xf32, #tpu.memory_space<vmem>>, vector<5x2x32x4096xf32>
    tpu.vector_store %arg2[%swap3A, %swap3A_4, %swap3A_5, %swap3A_6], %get3A_3 {strides = array<i32>} : memref<5x2x32x4096xf32, #tpu.memory_space<vmem>>, vector<5x2x32x4096xf32>,
    return
  }
  func.func @transform_0(%arg0: i32) -> (i32, i32, i32, i32) {
    %c0_i32 = arith.constant 0 : i32
    %c0_i32_0 = arith.constant 0 : i32
    %c0_i32_1 = arith.constant 0 : i32
    %c0_i32_2 = arith.constant 0 : i32
    return %c0_i32, %c0_i32_0, %c0_i32_1, %arg0 : i32, i32, i32, i32
  }
  func.func @transform_1(%arg0: i32) -> (i32, i32, i32, i32) {
    %c0_i32 = arith.constant 0 : i32
    %c0_i32_0 = arith.constant 0 : i32
    %c0_i32_1 = arith.constant 0 : i32
    %c0_i32_2 = arith.constant 0 : i32
    return %c0_i32, %c0_i32_0, %c0_i32_1, %arg0 : i32, i32, i32, i32
  }
}

module attributes {stable_mosaic.version = 14 : i64} {
  func.func @_pair_body(%arg0: i32, %arg1: memref<2x5x1024x128xf32, #tpu.memory_space<vmem>>, %arg2: memref<2x1x1x1024xi32, #tpu.memory_space<vmem>>, %arg3: memref<5xf32, #tpu.memory_space<vmem>>, %arg4: memref<5x64x1024xf32, #tpu.memory_space<vmem>>, %arg5: memref<5x64x1024xf32, #tpu.memory_space<vmem>>, %arg6: memref<1024xf32, #tpu.memory_space<vmem>>) attributes {dimension_semantics = [#tpu.dimension_semantics<arbitrary>], iteration_bounds = array<i64: 16>, scalar_prefetch = 0 : i64, scratch_operands = 0 : i64, tpu.core_type = #tpu.core_type<tc>, window_params = [{transform_indices = @transform_0, window_bounds = array<i64: 2, 5, 1024, 128>}, {transform_indices = @transform_1, window_bounds = array<i64: 2, 1, 1, 1024>}, {pipeline_mode = #tpu.pipeline_mode<synchronous>, transform_indices = @transform_2, window_bounds = array<i64: 5>}, {transform_indices = @transform_3, window_bounds = array<i64: 5, 64, 1024>}, {transform_indices = @transform_4, window_bounds = array<i64: 5, 64, 1024>}, {transform_indices = @transform_5, window_bounds = array<i64: 1024>}]} {
    %get3A = arith.constant 0 : index
    %get3A_0 = arith.constant 0 : index
    %get3A_1 = arith.constant 0 : index
    %get3A_2 = arith.constant 0 : index
    %get3A_3 = vector.load %arg1[%get3A, %get3A_0, %get3A_1, %get3A_2] : memref<2x5x1024x128xf32, #tpu.memory_space<vmem>>, vector<2x5x1024x128xf32>
    %transpose3A = tpu.transpose %get3A_3, [0, 1, 3, 2] : vector<2x5x1024x128xf32> -> vector<2x5x128x1024xf32>
    %get3A_4 = arith.constant 0 : index
    %get3A_5 = arith.constant 0 : index
    %get3A_6 = arith.constant 0 : index
    %get3A_7 = arith.constant 0 : index
    %get3A_8 = vector.load %arg2[%get3A_4, %get3A_5, %get3A_6, %get3A_7] : memref<2x1x1x1024xi32, #tpu.memory_space<vmem>>, vector<2x1x1x1024xi32>
    %eq3A = arith.constant 1 : i32
    %eq3A_9 = vector.broadcast %eq3A : i32 to vector<2x1x1x1024xi32>
    %eq3A_10 = arith.cmpi eq, %get3A_8, %eq3A_9 : vector<2x1x1x1024xi32>
    %slice3A = vector.extract_strided_slice %transpose3A {offsets = [0, 0, 64, 0], sizes = [2, 5, 64, 1024], strides = [1, 1, 1, 1]} : vector<2x5x128x1024xf32> to vector<2x5x64x1024xf32>
    %slice3A_11 = vector.extract_strided_slice %transpose3A {offsets = [0, 0, 0, 0], sizes = [2, 5, 64, 1024], strides = [1, 1, 1, 1]} : vector<2x5x128x1024xf32> to vector<2x5x64x1024xf32>
    %broadcast_in_dim3A = vector.shape_cast %eq3A_10 : vector<2x1x1x1024xi1> to vector<2x1x1x1024xi1>
    %broadcast_in_dim3A_12 = vector.broadcast %broadcast_in_dim3A : vector<2x1x1x1024xi1> to vector<2x5x64x1024xi1>
    %select_n3A = arith.select %broadcast_in_dim3A_12, %slice3A, %slice3A_11 : vector<2x5x64x1024xi1>, vector<2x5x64x1024xf32>
    %slice3A_13 = vector.extract_strided_slice %select_n3A {offsets = [0, 0, 0, 0], sizes = [1, 5, 64, 1024], strides = [1, 1, 1, 1]} : vector<2x5x64x1024xf32> to vector<1x5x64x1024xf32>
    %squeeze3A = vector.shape_cast %slice3A_13 : vector<1x5x64x1024xf32> to vector<5x64x1024xf32>
    %slice3A_14 = vector.extract_strided_slice %select_n3A {offsets = [1, 0, 0, 0], sizes = [1, 5, 64, 1024], strides = [1, 1, 1, 1]} : vector<2x5x64x1024xf32> to vector<1x5x64x1024xf32>
    %squeeze3A_15 = vector.shape_cast %slice3A_14 : vector<1x5x64x1024xf32> to vector<5x64x1024xf32>
    %swap3A = arith.constant 0 : index
    %swap3A_16 = arith.constant 0 : index
    %swap3A_17 = arith.constant 0 : index
    %swap3A_18 = vector.load %arg4[%swap3A, %swap3A_16, %swap3A_17] : memref<5x64x1024xf32, #tpu.memory_space<vmem>>, vector<5x64x1024xf32>
    tpu.vector_store %arg4[%swap3A, %swap3A_16, %swap3A_17], %squeeze3A {strides = array<i32>} : memref<5x64x1024xf32, #tpu.memory_space<vmem>>, vector<5x64x1024xf32>,
    %swap3A_19 = arith.constant 0 : index
    %swap3A_20 = arith.constant 0 : index
    %swap3A_21 = arith.constant 0 : index
    %swap3A_22 = vector.load %arg5[%swap3A_19, %swap3A_20, %swap3A_21] : memref<5x64x1024xf32, #tpu.memory_space<vmem>>, vector<5x64x1024xf32>
    tpu.vector_store %arg5[%swap3A_19, %swap3A_20, %swap3A_21], %squeeze3A_15 {strides = array<i32>} : memref<5x64x1024xf32, #tpu.memory_space<vmem>>, vector<5x64x1024xf32>,
    %slice3A_23 = vector.extract_strided_slice %squeeze3A {offsets = [0, 0, 0], sizes = [5, 32, 1024], strides = [1, 1, 1]} : vector<5x64x1024xf32> to vector<5x32x1024xf32>
    %slice3A_24 = vector.extract_strided_slice %squeeze3A_15 {offsets = [0, 0, 0], sizes = [5, 32, 1024], strides = [1, 1, 1]} : vector<5x64x1024xf32> to vector<5x32x1024xf32>
    %max3A = arith.maximumf %slice3A_23, %slice3A_24 : vector<5x32x1024xf32>
    %slice3A_25 = vector.extract_strided_slice %squeeze3A {offsets = [0, 32, 0], sizes = [5, 32, 1024], strides = [1, 1, 1]} : vector<5x64x1024xf32> to vector<5x32x1024xf32>
    %slice3A_26 = vector.extract_strided_slice %squeeze3A_15 {offsets = [0, 32, 0], sizes = [5, 32, 1024], strides = [1, 1, 1]} : vector<5x64x1024xf32> to vector<5x32x1024xf32>
    %min3A = arith.minimumf %slice3A_25, %slice3A_26 : vector<5x32x1024xf32>
    %sub3A = arith.subf %min3A, %max3A : vector<5x32x1024xf32>
    %max3A_27 = arith.constant 0.000000e+00 : f32
    %max3A_28 = vector.broadcast %max3A_27 : f32 to vector<5x32x1024xf32>
    %max3A_29 = arith.maximumf %sub3A, %max3A_28 : vector<5x32x1024xf32>
    %slice3A_30 = vector.extract_strided_slice %squeeze3A_15 {offsets = [0, 32, 0], sizes = [5, 32, 1024], strides = [1, 1, 1]} : vector<5x64x1024xf32> to vector<5x32x1024xf32>
    %slice3A_31 = vector.extract_strided_slice %squeeze3A_15 {offsets = [0, 0, 0], sizes = [5, 32, 1024], strides = [1, 1, 1]} : vector<5x64x1024xf32> to vector<5x32x1024xf32>
    %sub3A_32 = arith.subf %slice3A_30, %slice3A_31 : vector<5x32x1024xf32>
    %max3A_33 = arith.constant 0.000000e+00 : f32
    %max3A_34 = vector.broadcast %max3A_33 : f32 to vector<5x32x1024xf32>
    %max3A_35 = arith.maximumf %sub3A_32, %max3A_34 : vector<5x32x1024xf32>
    %concatenate3A = tpu.concatenate %max3A_29, %max3A_35 in 0 : vector<5x32x1024xf32>, vector<5x32x1024xf32> -> vector<10x32x1024xf32>
    %slice3A_36 = vector.extract_strided_slice %concatenate3A {offsets = [0, 0, 0], sizes = [10, 16, 1024], strides = [1, 1, 1]} : vector<10x32x1024xf32> to vector<10x16x1024xf32>
    %slice3A_37 = vector.extract_strided_slice %concatenate3A {offsets = [0, 16, 0], sizes = [10, 16, 1024], strides = [1, 1, 1]} : vector<10x32x1024xf32> to vector<10x16x1024xf32>
    %mul3A = arith.mulf %slice3A_36, %slice3A_37 : vector<10x16x1024xf32>
    %slice3A_38 = vector.extract_strided_slice %mul3A {offsets = [0, 0, 0], sizes = [10, 8, 1024], strides = [1, 1, 1]} : vector<10x16x1024xf32> to vector<10x8x1024xf32>
    %slice3A_39 = vector.extract_strided_slice %mul3A {offsets = [0, 8, 0], sizes = [10, 8, 1024], strides = [1, 1, 1]} : vector<10x16x1024xf32> to vector<10x8x1024xf32>
    %mul3A_40 = arith.mulf %slice3A_38, %slice3A_39 : vector<10x8x1024xf32>
    %slice3A_41 = vector.extract_strided_slice %mul3A_40 {offsets = [0, 0, 0], sizes = [10, 4, 1024], strides = [1, 1, 1]} : vector<10x8x1024xf32> to vector<10x4x1024xf32>
    %slice3A_42 = vector.extract_strided_slice %mul3A_40 {offsets = [0, 4, 0], sizes = [10, 4, 1024], strides = [1, 1, 1]} : vector<10x8x1024xf32> to vector<10x4x1024xf32>
    %mul3A_43 = arith.mulf %slice3A_41, %slice3A_42 : vector<10x4x1024xf32>
    %slice3A_44 = vector.extract_strided_slice %mul3A_43 {offsets = [0, 0, 0], sizes = [10, 2, 1024], strides = [1, 1, 1]} : vector<10x4x1024xf32> to vector<10x2x1024xf32>
    %slice3A_45 = vector.extract_strided_slice %mul3A_43 {offsets = [0, 2, 0], sizes = [10, 2, 1024], strides = [1, 1, 1]} : vector<10x4x1024xf32> to vector<10x2x1024xf32>
    %mul3A_46 = arith.mulf %slice3A_44, %slice3A_45 : vector<10x2x1024xf32>
    %slice3A_47 = vector.extract_strided_slice %mul3A_46 {offsets = [0, 0, 0], sizes = [10, 1, 1024], strides = [1, 1, 1]} : vector<10x2x1024xf32> to vector<10x1x1024xf32>
    %slice3A_48 = vector.extract_strided_slice %mul3A_46 {offsets = [0, 1, 0], sizes = [10, 1, 1024], strides = [1, 1, 1]} : vector<10x2x1024xf32> to vector<10x1x1024xf32>
    %mul3A_49 = arith.mulf %slice3A_47, %slice3A_48 : vector<10x1x1024xf32>
    %squeeze3A_50 = vector.shape_cast %mul3A_49 : vector<10x1x1024xf32> to vector<10x1024xf32>
    %get3A_51 = arith.constant 0 : index
    %get3A_52 = vector.load %arg3[%get3A_51] : memref<5xf32, #tpu.memory_space<vmem>>, vector<5xf32>
    %broadcast_in_dim3A_53 = vector.shape_cast %get3A_52 : vector<5xf32> to vector<5x1xf32>
    %slice3A_54 = vector.extract_strided_slice %squeeze3A_50 {offsets = [0, 0], sizes = [5, 1024], strides = [1, 1]} : vector<10x1024xf32> to vector<5x1024xf32>
    %mul3A_55 = vector.broadcast %broadcast_in_dim3A_53 : vector<5x1xf32> to vector<5x1024xf32>
    %mul3A_56 = arith.mulf %mul3A_55, %slice3A_54 : vector<5x1024xf32>
    %reduce_sum3A = arith.constant dense<0.000000e+00> : vector<1024xf32>
    %reduce_sum3A_57 = vector.multi_reduction <add>, %mul3A_56, %reduce_sum3A [0] : vector<5x1024xf32> to vector<1024xf32>
    %broadcast_in_dim3A_58 = vector.shape_cast %get3A_52 : vector<5xf32> to vector<5x1xf32>
    %slice3A_59 = vector.extract_strided_slice %squeeze3A_50 {offsets = [5, 0], sizes = [5, 1024], strides = [1, 1]} : vector<10x1024xf32> to vector<5x1024xf32>
    %mul3A_60 = vector.broadcast %broadcast_in_dim3A_58 : vector<5x1xf32> to vector<5x1024xf32>
    %mul3A_61 = arith.mulf %mul3A_60, %slice3A_59 : vector<5x1024xf32>
    %reduce_sum3A_62 = arith.constant dense<0.000000e+00> : vector<1024xf32>
    %reduce_sum3A_63 = vector.multi_reduction <add>, %mul3A_61, %reduce_sum3A_62 [0] : vector<5x1024xf32> to vector<1024xf32>
    %add3A = arith.constant 1.17549435E-38 : f32
    %add3A_64 = vector.broadcast %add3A : f32 to vector<1024xf32>
    %add3A_65 = arith.addf %reduce_sum3A_57, %add3A_64 : vector<1024xf32>
    %log3A = math.log %add3A_65 : vector<1024xf32>
    %add3A_66 = arith.constant 1.17549435E-38 : f32
    %add3A_67 = vector.broadcast %add3A_66 : f32 to vector<1024xf32>
    %add3A_68 = arith.addf %reduce_sum3A_63, %add3A_67 : vector<1024xf32>
    %log3A_69 = math.log %add3A_68 : vector<1024xf32>
    %sub3A_70 = arith.subf %log3A, %log3A_69 : vector<1024xf32>
    %exp3A = math.exp %sub3A_70 : vector<1024xf32>
    %swap3A_71 = arith.constant 0 : index
    %swap3A_72 = vector.load %arg6[%swap3A_71] : memref<1024xf32, #tpu.memory_space<vmem>>, vector<1024xf32>
    tpu.vector_store %arg6[%swap3A_71], %exp3A {strides = array<i32>} : memref<1024xf32, #tpu.memory_space<vmem>>, vector<1024xf32>,
    return
  }
  func.func @transform_0(%arg0: i32) -> (i32, i32, i32, i32) {
    %c0_i32 = arith.constant 0 : i32
    %c0_i32_0 = arith.constant 0 : i32
    %c0_i32_1 = arith.constant 0 : i32
    %c0_i32_2 = arith.constant 0 : i32
    return %c0_i32, %c0_i32_0, %arg0, %c0_i32_1 : i32, i32, i32, i32
  }
  func.func @transform_1(%arg0: i32) -> (i32, i32, i32, i32) {
    %c0_i32 = arith.constant 0 : i32
    %c0_i32_0 = arith.constant 0 : i32
    %c0_i32_1 = arith.constant 0 : i32
    %c0_i32_2 = arith.constant 0 : i32
    return %c0_i32, %c0_i32_0, %c0_i32_1, %arg0 : i32, i32, i32, i32
  }
  func.func @transform_2(%arg0: i32) -> i32 {
    %c0_i32 = arith.constant 0 : i32
    %c0_i32_0 = arith.constant 0 : i32
    return %c0_i32 : i32
  }
  func.func @transform_3(%arg0: i32) -> (i32, i32, i32) {
    %c0_i32 = arith.constant 0 : i32
    %c0_i32_0 = arith.constant 0 : i32
    %c0_i32_1 = arith.constant 0 : i32
    return %c0_i32, %c0_i32_0, %arg0 : i32, i32, i32
  }
  func.func @transform_4(%arg0: i32) -> (i32, i32, i32) {
    %c0_i32 = arith.constant 0 : i32
    %c0_i32_0 = arith.constant 0 : i32
    %c0_i32_1 = arith.constant 0 : i32
    return %c0_i32, %c0_i32_0, %arg0 : i32, i32, i32
  }
  func.func @transform_5(%arg0: i32) -> i32 {
    %c0_i32 = arith.constant 0 : i32
    return %arg0 : i32
  }
}

</mosaic_0001>

<sc_bundles>
// kernel: kernel.6.cloned.1.call-start
scs
__scs_entry_jumppad:
0x0: {  	(pc) =	sbr.rel $0x88, $3  }
0x1: {  	(tag) =	ssettag $0x0;
	lr =	simm.s32 $0x1  }
0x2: {  	[smem:$0x3F9E] =	sst lr;
	_ =	strace $0xD0000000  }
0x3: {  	_ = 	snop  }
0x4: {  	_ = 	snop  }
0x5: {  	_ = 	snop  }
0x6: {  	_ = 	snop  }
0x7: {  	_ = 	snop  }
__scs_overlays_trampoline_lowered:
0x8: {  	[smem:$0x3FAD] =	sst s0  }
0x9: {  	[smem:$0x3FAE] =	sst s1  }
0xa: {  	[smem:$0x3FAF] =	sst s2  }
0xb: {  	[smem:$0x3FB0] =	sst s3  }
0xc: {  	[smem:$0x3FB1] =	sst s4  }
0xd: {  	[smem:$0x3FB2] =	sst s5  }
0xe: {  	[smem:$0x3FB3] =	sst s6  }
0xf: {  	[smem:$0x3FB4] =	sst s7  }
0x10: {  	[smem:$0x3FB5] =	sst s8  }
0x11: {  	[smem:$0x3FB6] =	sst s9;
	s0 =	simm.s32 @!p0 $0x0  }
0x12: {  	s1 =	sld [smem:$0x3F9C];
	s0 =	simm.s32 @p0 $0x1  }
0x13: {  	[smem:$0x3FB7] =	sst s0;
	s0 =	simm.s32 @!p1 $0x0  }
0x14: {  	s2 =	sld [smem:$0x3F9B];
	s0 =	simm.s32 @p1 $0x1  }
0x15: {  	[smem:$0x3FB8] =	sst s0;
	s0 =	simm.s32 @!p2 $0x0  }
0x16: {  	s3 =	sld [smem:$0x3FDB];
	s0 =	simm.s32 @p2 $0x1  }
0x17: {  	s4 =	simm.s32 $0x1BF5;
	[smem:$0x3FBA] =	sst s0  }
0x18: {  	s0 =	sld [smem:$0x3F9D];
	_ =	swait.ge [sflag:s4], $0x0  }
0x19: {  	s7 =	sld [smem:$0x3F9E]  }
0x1a: {  	s8 =	sadd.s32 $0xFFFFE003, lr  }
0x1b: {  	s9 =	sadd.s32 $0xFFFFFEF7, lr;
	s5 =	simm.s32 $0xFFFFFFFF;
	p2 =	slt.u32 s8, $0xFFFFF086  }
0x1c: {  	p1 =	slt.u32 s9, $0xF7A;
	s5 =	simm.s32 @!p2 $0x0  }
0x1d: {  	s5 =	simm.s32 @p1 $0x1;
	p0 =	seq.s32 s7, s2  }
0x1e: {  	s7 =	smul.u32 @!p0 $0xF7A, s2;
	p2 =	seq.s32 @!p0 s5, $0x0  }
0x1f: {  	s9 =	smul.u32 $0xF7A, s1;
	s8 =	simm.s32 @!p0 $0x1BF5;
	p2 =	por !p2, p0  }
0x20: {  	[sflag:s8] =	ssyncset.s32 @!p0 $0xFFFFF086;
	s6 =	sadd.s32 @!p0 s3, s7;
	s7 =	simm.s32 @!p0 $0x108  }
0x21: {  	s3 =	sadd.s32 s3, s9;
	s6 =	sadd.s32 @!p0 $0x88, s6;
	s7 =	simm.s32 @p2 $0x1082  }
0x22: {  	[simem:s7], [sflag:s8] =	dma.local @!p0 [hbm:s6], $0xF7A  }
0x23: {  	s9 =	sor.u32 $0xD0000000, s2;
	s6 =	simm.s32 $0x108;
	_ =	swait.ge @!p0 [sflag:s8], $0x0  }
0x24: {  	s3 =	sadd.s32 $0x88, s3;
	s6 =	simm.s32 @!p1 $0x1082;
	[sflag:s4] =	ssyncset.s32 $0xFFFFF086  }
0x25: {  	[simem:s6], [sflag:s4] =	dma.local [hbm:s3], $0xF7A  }
0x26: {  	[smem:$0x3F9E] =	sst s1;
	(tag) =	ssettag s2;
	_ =	strace s9  }
0x27: {  	s1 =	sld [smem:$0x3FAE]  }
0x28: {  	s2 =	sld [smem:$0x3FAF]  }
0x29: {  	s4 =	sld [smem:$0x3FB1]  }
0x2a: {  	p0 =	seq.s32 s5, $0x0;
	s5 =	sld [smem:$0x3FB2]  }
0x2b: {  	s6 =	sld [smem:$0x3FB3]  }
0x2c: {  	s7 =	sld [smem:$0x3FB4]  }
0x2d: {  	s3 =	simm.s32 $0x108;
	s8 =	sld [smem:$0x3FB5]  }
0x2e: {  	s3 =	simm.s32 @!p0 $0x1082;
	s9 =	sld [smem:$0x3FB6]  }
0x2f: {  	lr =	sadd.s32 s0, s3;
	s0 =	sld [smem:$0x3FAD]  }
0x30: {  	s3 =	sld [smem:$0x3FB0]  }
0x31: {  	[smem:$0x3FB9] =	sst s10  }
0x32: {  	s10 =	sld [smem:$0x3FB7];
	_ =	sdelay $0x3  }
0x33: {  	p0 =	seq.s32 s10, $0x1;
	s10 =	sld [smem:$0x3FB9];
	_ =	sdelay $0x3  }
0x34: {  	[smem:$0x3FB9] =	sst s10  }
0x35: {  	s10 =	sld [smem:$0x3FB8];
	_ =	sdelay $0x3  }
0x36: {  	p1 =	seq.s32 s10, $0x1;
	s10 =	sld [smem:$0x3FB9];
	_ =	sdelay $0x3  }
0x37: {  	[smem:$0x3FB9] =	sst s10  }
0x38: {  	s10 =	sld [smem:$0x3FBA]  }
0x39: {  	_ = 	snop;
	(pc) =	sbr.ind lr, $3  }
0x3a: {  	_ = 	snop  }
0x3b: {  	_ = 	snop  }
0x3c: {  	p2 =	seq.s32 s10, $0x1;
	s10 =	sld [smem:$0x3FB9]  }
0x3d: {  	_ =	shalt  }
0x3e: {  	_ =	shalt  }
0x3f: {  	_ =	shalt  }
0x40: {  	_ =	shalt  }
0x41: {  	_ =	shalt  }
0x42: {  	_ =	shalt  }
0x43: {  	_ =	shalt  }
0x44: {  	_ =	shalt  }
0x45: {  	_ =	shalt  }
0x46: {  	_ =	shalt  }
0x47: {  	_ =	shalt  }
0x48: {  	_ =	shalt  }
0x49: {  	_ =	shalt  }
0x4a: {  	_ =	shalt  }
0x4b: {  	_ =	shalt  }
0x4c: {  	_ =	shalt  }
0x4d: {  	_ =	shalt  }
0x4e: {  	_ =	shalt  }
0x4f: {  	_ =	shalt  }
0x50: {  	_ =	shalt  }
0x51: {  	_ =	shalt  }
0x52: {  	_ =	shalt  }
0x53: {  	_ =	shalt  }
0x54: {  	_ =	shalt  }
0x55: {  	_ =	shalt  }
0x56: {  	_ =	shalt  }
0x57: {  	_ =	shalt  }
0x58: {  	_ =	shalt  }
0x59: {  	_ =	shalt  }
0x5a: {  	_ =	shalt  }
0x5b: {  	_ =	shalt  }
0x5c: {  	_ =	shalt  }
0x5d: {  	_ =	shalt  }
0x5e: {  	_ =	shalt  }
0x5f: {  	_ =	shalt  }
0x60: {  	_ =	shalt  }
0x61: {  	_ =	shalt  }
0x62: {  	_ =	shalt  }
0x63: {  	_ =	shalt  }
0x64: {  	_ =	shalt  }
0x65: {  	_ =	shalt  }
0x66: {  	_ =	shalt  }
0x67: {  	_ =	shalt  }
0x68: {  	_ =	shalt  }
0x69: {  	_ =	shalt  }
0x6a: {  	_ =	shalt  }
0x6b: {  	_ =	shalt  }
0x6c: {  	_ =	shalt  }
0x6d: {  	_ =	shalt  }
0x6e: {  	_ =	shalt  }
0x6f: {  	_ =	shalt  }
0x70: {  	_ =	shalt  }
0x71: {  	_ =	shalt  }
0x72: {  	_ =	shalt  }
0x73: {  	_ =	shalt  }
0x74: {  	_ =	shalt  }
0x75: {  	_ =	shalt  }
0x76: {  	_ =	shalt  }
0x77: {  	_ =	shalt  }
0x78: {  	_ =	shalt  }
0x79: {  	_ =	shalt  }
0x7a: {  	_ =	shalt  }
0x7b: {  	_ =	shalt  }
0x7c: {  	_ =	shalt  }
0x7d: {  	_ =	shalt  }
0x7e: {  	_ =	shalt  }
0x7f: {  	_ =	shalt  }
0x80: {  	_ =	shalt  }
0x81: {  	_ =	shalt  }
0x82: {  	_ =	shalt  }
0x83: {  	_ =	shalt  }
0x84: {  	_ =	shalt  }
0x85: {  	_ =	shalt  }
0x86: {  	_ =	shalt  }
0x87: {  	_ =	shalt  }
.Lfunc_end0:
.L_simem_size_0:
called_computation_lowered:
.L_overlay_start_0:
0x88: {  	s2 =	sld [smem:$0x3FD9]  }
0x89: {  	s3 =	sld [smem:$0x3FFE];
	_ =	sdelay $0x1  }
0x8a: {  	s1 =	srdreg.scid  }
0x8b: {  	s0 =	sand.u32 $0x1, s1  }
0x8c: {  	s14 =	sshll.u32 s0, $0xA;
	s2 =	sadd.s32 s3, s2  }
0x8d: {  	s2 =	sadd.s32 s2, s14  }
0x8e: {  	[smem:$0x3FC5] =	sst s2  }
0x8f: {  	_ = 	snop  }
0x90: {  	s2 =	sld [smem:$0x3FD0];
	_ =	sdelay $0x2  }
0x91: {  	s15 =	simm.s32 $0xA;
	s4 =	simm.s32 $0x10  }
0x92: {  	[smem:s4], [sflag:s15] =	dma.local [hbm:s2], $0x1  }
0x93: {  	_ =	swait.eq [sflag:s15], $0x1  }
0x94: {  	[sflag:s15] =	ssyncset.done $0x0  }
0x95: {  	[sflag:s15] =	ssyncadd.s32 $0xFFFFFFFF  }
0x96: {  	s16 =	sld [smem:$0x13];
	(tm) =	ssettm $0x1  }
0x97: {  	s17 =	sld [smem:$0x3FFB];
	_ =	sdelay $0x3  }
0x98: {  	_ =	strace s17  }
0x99: {  	s3 =	sld [smem:$0x3FFC];
	_ =	sdelay $0x3  }
0x9a: {  	_ =	strace s3  }
0x9b: {  	s3 =	sld [smem:$0x3FFD];
	_ =	sdelay $0x3  }
0x9c: {  	_ =	strace s3  }
0x9d: {  	_ =	strace $0x8FFFFFFF  }
0x9e: {  	s18 =	sld [smem:$0x3FDB];
	_ =	sdelay $0x1  }
0x9f: {  	s19 =	simm.s32 $_scs_section_size  }
0xa0: {  	s5 =	simm.s32 $_size__tile_overlayer_lowered;
	s6 =	simm.s32 $_tile_overlayer_lowered  }
0xa1: {  	s22 =	simm.s32 $0x1BFF;
	s21 =	sshll.u32 s6, $0x1;
	s3 =	sadd.s32 s19, s18  }
0xa2: {  	s7 =	simm.s32 $0x0;
	s20 =	sshll.u32 s5, $0x1;
	s5 =	sadd.s32 s21, s3  }
0xa3: {  	[timem:s7], [sflag:s22] =	dma.local [hbm:s5], s20  }
0xa4: {  	_ =	swait.ge [sflag:s22], s20  }
0xa5: {  	s4 =	ssub.s32 $0x0, s20;
	[sflag:s22] =	ssyncset.done $0x0  }
0xa6: {  	[sflag:s22] =	ssyncadd.s32 s4;
	_ =	sdelay $0x1  }
0xa7: {  	s23 =	simm.s32 $0x1B8B  }
0xa8: {  	_ =	swait.ge [sflag:s23], $0x1  }
0xa9: {  	[sflag:s23] =	ssyncset.done $0x0  }
0xaa: {  	s25 =	simm.s32 $0x1B8E;
	s24 =	sld [smem:$0x3FFE];
	[sflag:s23] =	ssyncadd.s32 $0xFFFFFFFF  }
0xab: {  	s26 =	simm.s32 $execute0_lowered;
	[smem:$0x3FD2] =	sst s25  }
0xac: {  	s5 =	sshll.u32 s26, $0x1;
	_ =	strace $0x80000046;
	[dreg:$0x1] =	wrdreg $0xFFFFFFFF  }
0xad: {  	s28 =	simm.s32 $_size_execute0_lowered;
	s3 =	sadd.s32 s3, s5;
	[dreg:$0x0] =	wrdreg $0x0  }
0xae: {  	s5 =	sshll.u32 s28, $0x1;
	[dreg:$0x2] =	wrdreg s3  }
0xaf: {  	[dreg:$0x3] =	wrdreg s5  }
0xb0: {  	[dreg:$0x4] =	wrdreg $0xC0  }
0xb1: {  	_ =	task [dreg:s7], $0x5FFFF  }
0xb2: {  	[dreg:$0x1] =	wrdreg $0xFFFFFFFF  }
0xb3: {  	[dreg:$0x0] =	wrdreg $0x60  }
0xb4: {  	[dreg:$0x2] =	wrdreg s24  }
0xb5: {  	[dreg:$0x3] =	wrdreg s16  }
0xb6: {  	[dreg:$0x4] =	wrdreg $0x9  }
0xb7: {  	_ =	task.clear_ibuf [dreg:s7], $0x5FFFF;
	_ =	strace $0x90000046  }
0xb8: {  	s29 =	simm.s32 $0x9;
	_ =	strace $0x80000048  }
0xb9: {  	_ =	swait.ge [sflag:s29], $0x1  }
0xba: {  	[sflag:s29] =	ssyncadd.s32 $0xFFFFFFFF  }
0xbb: {  	_ =	strace $0x90000048  }
0xbc: {  	_ =	sfence  }
0xbd: {  	s30 =	sld [smem:$0x0];
	_ =	sdelay $0x2  }
0xbe: {  	s31 =	sshll.u32 s1, $0xD;
	s1 =	sshrl.u32 s1, $0x2  }
0xbf: {  	s3 =	sand.u32 $0x4000, s31;
	s1 =	sadd.s32 s1, s30  }
0xc0: {  	s0 =	sor.u32 s3, s0;
	s1 =	sshll.u32 s1, $0x11  }
0xc1: {  	s0 =	sor.u32 s1, s0  }
0xc2: {  	s0 =	sadd.s32 $0x8F2B, s0  }
0xc3: {  	[sflag:s0] =	ssyncadd.remote.s32 $0x1  }
0xc4: {  	_ =	sfence.sel $0xFFFF  }
0xc5: {  	[dreg:$0x0] =	wrdreg $0xFFFFFFFF;
	(pc) =	sbr.abs _section_cstart, $3  }
0xc6: {  	[dreg:$0x1] =	wrdreg $0xFFFFFFFF  }
0xc7: {  	_ =	task.clear_ibuf [dreg:s7], $0x2FFFF;
	_ =	strace $0x9FFFFFFF  }
0xc8: {  	(tm) =	ssettm $0x7FFFFFFF  }
0xc9: {  	_ =	shalt  }
tec
execute0_lowered:
.L_overlay_start_1:
0x0: {  	(tag) =	ssettag $0x1  }
0x1: {  	s4 =	rddreg [dreg:$0x0]  }
0x2: {  	s5 =	rddreg [dreg:$0x1];
	s3 =	srdreg.scid  }
0x3: {  	s0 =	stileid.u32;
	s2 =	simm.s32 $0x0;
	s10 =	simm.s32 $0x5400  }
0x4: {  	s11 =	simm.s32 $0x100;
	s12 =	simm.s32 $0x9400;
	s13 =	simm.s32 $0x180  }
0x5: {  	s14 =	simm.s32 $0xD400;
	s15 =	simm.s32 $0x5;
	s16 =	simm.s32 $0x6  }
0x6: {  	s17 =	simm.s32 $0x7;
	s18 =	simm.s32 $0x8;
	s19 =	simm.s32 $0x0  }
0x7: {  	s3 =	sand.u32 $0x1, s3;
	s6 =	smul.u32 $0x140000, s0;
	[smem:$0x7FF] =	sst s2  }
0x8: {  	s8 =	sshll.u32 s0, $0x1;
	s7 =	smul.u32 $0xA0000, s3;
	_ =	strace $0x80000047  }
0x9: {  	s8 =	sor.u32 s3, s8;
	s31 =	ssub.s32 $0x2, s3;
	s3 =	sadd.s32 $0x600, s4  }
0xa: {  	s8 =	smul.u32 $0x280, s8;
	s9 =	sshrl.u32 s31, $0x1;
	s6 =	sadd.s32 s7, s6  }
0xb: {  	s7 =	ssub.s32 s31, s9;
	s9 =	simm.s32 $0x1400;
	s6 =	sshrl.u32 s6, $0x3  }
0xc: {  	s6 =	sadd.s32 s6, s4;
	s4 =	sadd.s32 s5, s8;
	s5 =	smax.u32 s7, $0x1  }
0xd: {  	s7 =	simm.s32 $0x9;
	s8 =	simm.s32 $0x80;
	s6 =	sadd.s32 $0x3E8600, s6  }
.LBB2_1:
0xe: {  	[tilespmem:s2], [sflag:$0x9] =	stream.linear.gather [hbm4b:s4+s2], $0x1400, $0x38;
	[tilespmem:$0x11400] =	vst v63  }
0xf: {  	_ =	swait.ge [sflag:s7], $0x1400  }
0x10: {  	[sflag:s7] =	ssyncset.done $0x0  }
0x11: {  	[sflag:s7] =	ssyncadd.s32 $0xFFFFEC00  }
0x12: {  	[tilespmem:s9], [sflag:$0x1] =	stream.indirect.gather [hbm4b:s3+s8], $0x80, s2, s8, $0xb8;
	[tilespmem:$0x11400] =	vst v63  }
0x13: {  	_ = 	snop  }
0x14: {  	[tilespmem:s10], [sflag:$0x2] =	stream.indirect.gather [hbm4b:s3+s8], $0x80, s8, s8, $0xb8;
	[tilespmem:$0x11400] =	vst v63  }
0x15: {  	s23 =	sand.u32 $0x3, s2  }
0x16: {  	[tilespmem:s12], [sflag:$0x3] =	stream.indirect.gather [hbm4b:s3+s8], $0x80, s11, s8, $0xb8;
	[tilespmem:$0x11400] =	vst v63  }
0x17: {  	s22 =	sadd.s32 $0x1, s23  }
0x18: {  	[tilespmem:s14], [sflag:$0x4] =	stream.indirect.gather [hbm4b:s3+s8], $0x80, s13, s8, $0xb8;
	[tilespmem:$0x11400] =	vst v63  }
0x19: {  	s20 =	simm.s32 $0x200;
	s21 =	simm.s32 $0x1;
	_ =	swait.ge [sflag:s22], $0x4000  }
0x1a: {  	p0 =	por $0x0, $0x0;
	s24 =	sshll.u32 s23, $0xE;
	[sflag:s22] =	ssyncset.done $0x0  }
0x1b: {  	s23 =	sadd.s32 $0x5, s23;
	s29 =	sor.u32 $0x1400, s24;
	[sflag:s22] =	ssyncadd.s32 $0xFFFFC000  }
0x1c: {  	[hbm4b:s6+s2] =	stream.linear.scatter [tilespmem:s29], [sflag:s23], $0x4000, $0x38;
	[tilespmem:$0x11400] =	vst v63  }
0x1d: {  	s25 =	simm.s32 $0x2;
	s26 =	sand.u32 $0x3, s21;
	_ =	swait.ge @!p0 [sflag:s23], $0x4000  }
0x1e: {  	s30 =	simm.s32 @!p0 $0x80;
	s28 =	sshll.u32 s26, $0xE;
	[sflag:s23] =	ssyncset.done @!p0 $0x0  }
0x1f: {  	s24 =	sadd.s32 $0x800, s6;
	[sflag:s23] =	ssyncadd.s32 @!p0 $0xFFFFC000;
	s23 =	simm.s32 $0x280  }
.LBB2_2:
0x20: {  	[tilespmem:s29], [sflag:s22] =	stream.indirect.gather @!p0 [hbm4b:s3+s30], $0x80, s20, s30, $0xb8;
	[tilespmem:$0x11400] =	vst v63  }
0x21: {  	s30 =	smov.u32 s25;
	s20 =	smov.u32 s23  }
0x22: {  	s25 =	sadd.s32 $0x1, s25;
	s22 =	sadd.s32 $0x1, s26;
	s31 =	sand.u32 $0x3, s30  }
0x23: {  	p1 =	sne.s32 s25, $0x28;
	s0 =	sshll.u32 s31, $0xE;
	_ =	swait.ge [sflag:s22], $0x4000  }
0x24: {  	s1 =	sadd.s32 $0x5, s26;
	p0 =	sgt.u32 s21, $0x23;
	[sflag:s22] =	ssyncset.done $0x0  }
.Ltmp0:
0x25: {  	s29 =	sor.u32 $0x1400, s28;
	[sflag:s22] =	ssyncadd.s32 $0xFFFFC000;
	(pc) =	sbr.rel @p1 .LBB2_2-.Ltmp0, $4  }
0x26: {  	[hbm4b:s24+s2] =	stream.linear.scatter [tilespmem:s29], [sflag:s1], $0x4000, $0x38;
	[tilespmem:$0x11400] =	vst v63  }
0x27: {  	s21 =	smov.u32 s30;
	s26 =	smov.u32 s31;
	_ =	swait.ge @!p0 [sflag:s1], $0x4000  }
0x28: {  	s28 =	smov.u32 s0;
	s24 =	sadd.s32 $0x800, s24;
	[sflag:s1] =	ssyncset.done @!p0 $0x0  }
0x29: {  	s23 =	sadd.s32 $0x80, s23;
	s30 =	simm.s32 @!p0 $0x80;
	[sflag:s1] =	ssyncadd.s32 @!p0 $0xFFFFC000  }
0x2a: {  	[tilespmem:s29], [sflag:s22] =	stream.indirect.gather @!p0 [hbm4b:s3+s30], $0x80, s20, s30, $0xb8;
	[tilespmem:$0x11400] =	vst v63  }
0x2b: {  	s0 =	sadd.s32 $0x1, s26  }
0x2c: {  	_ =	swait.ge [sflag:s0], $0x4000  }
0x2d: {  	s1 =	sadd.s32 $0x5, s26;
	[sflag:s0] =	ssyncset.done $0x0  }
0x2e: {  	p0 =	sgt.u32 s21, $0x23;
	s20 =	sor.u32 $0x1400, s28;
	[sflag:s0] =	ssyncadd.s32 $0xFFFFC000  }
0x2f: {  	[hbm4b:s24+s2] =	stream.linear.scatter [tilespmem:s20], [sflag:s1], $0x4000, $0x38;
	[tilespmem:$0x11400] =	vst v63  }
0x30: {  	_ =	swait.ge @!p0 [sflag:s1], $0x4000  }
0x31: {  	[sflag:s1] =	ssyncset.done @!p0 $0x0  }
0x32: {  	[sflag:s1] =	ssyncadd.s32 @!p0 $0xFFFFC000;
	s1 =	simm.s32 @!p0 $0x80  }
0x33: {  	[tilespmem:s20], [sflag:s0] =	stream.indirect.gather @!p0 [hbm4b:s3+s1], $0x80, s23, s1, $0xb8;
	[tilespmem:$0x11400] =	vst v63  }
0x34: {  	_ =	swait.ge [sflag:s15], $0x4000  }
0x35: {  	[sflag:s15] =	ssyncset.done $0x0  }
0x36: {  	[sflag:s15] =	ssyncadd.s32 $0xFFFFC000  }
0x37: {  	_ =	swait.ge [sflag:s16], $0x4000  }
0x38: {  	[sflag:s16] =	ssyncset.done $0x0  }
0x39: {  	s19 =	sadd.s32 $0x1, s19;
	[sflag:s16] =	ssyncadd.s32 $0xFFFFC000  }
0x3a: {  	p0 =	sne.s32 s19, s5;
	_ =	swait.ge [sflag:s17], $0x4000  }
.Ltmp1:
0x3b: {  	[sflag:s17] =	ssyncset.done $0x0;
	(pc) =	sbr.rel @p0 .LBB2_1-.Ltmp1, $4  }
0x3c: {  	[sflag:s17] =	ssyncadd.s32 $0xFFFFC000  }
0x3d: {  	_ =	swait.ge [sflag:s18], $0x4000  }
0x3e: {  	[sflag:s18] =	ssyncset.done $0x0  }
0x3f: {  	[sflag:s18] =	ssyncadd.s32 $0xFFFFC000  }
0x40: {  	_ =	sfence.sel $0x180000  }
0x41: {  	[bflag:$0x0] =	sbarrier.arrive $0xFFFF  }
0x42: {  	_ =	strace $0x90000047  }
0x43: {  	s0 =	stileid.u32;
	[bflag:$0x2] =	sbarrier.arrive $0xFFFF  }
0x44: {  	p0 =	sne.s32 s0, $0x0;
	s0 =	rddreg [dreg:$0x2]  }
0x45: {  	s0 =	sadd.s32 @!p0 $0x100000, s0  }
0x46: {  	[sflag:s0] =	ssyncadd.tile.s32 @!p0 $0x1;
	_ =	shalt  }
.Lfunc_end2:
_tile_overlayer_lowered:
.L_overlay_start_2:
0x47: {  	(tag) =	ssettag $0x2  }
0x48: {  	s0 =	rddreg [dreg:$0x0];
	s2 =	stileid.u32  }
0x49: {  	s1 =	rddreg [dreg:$0x1];
	p0 =	sne.s32 s2, $0x0  }
0x4a: {  	s3 =	rddreg [dreg:$0x2];
	[bflag:$0x3] =	sbarrier.arrive $0xFFFF;
	s2 =	simm.s32 @!p0 $0x1C09  }
0x4b: {  	[timem:s3], [sflag:s2] =	dma.local @!p0 [hbm:s0], s1  }
0x4c: {  	s0 =	simm.s32 @!p0 $0x9  }
0x4d: {  	_ =	swait.ge @!p0 [sflag:s0], s1  }
0x4e: {  	s1 =	ssub.s32 @!p0 $0x0, s1;
	[sflag:s0] =	ssyncset.done @!p0 $0x0  }
0x4f: {  	[sflag:s0] =	ssyncadd.s32 @!p0 s1  }
0x50: {  	[bflag:$0x3] =	sbarrier.arrive $0xFFFF  }
0x51: {  	_ =	shalt  }

</sc_bundles>
